<compile_context>
chip_gen: v7x
topology: tpu7x:2x2x1
jax: 0.10.2.dev20260603
libtpu: 0.0.44.dev20260713+nightly
codegen_flags: <defaults>
</compile_context>

<pallas_src>
import functools

import jax
import jax.numpy as jnp
from jax import lax
from jax.experimental import pallas as pl
from jax.experimental.pallas import tpu as pltpu
from jax.experimental.pallas import tpu_sc as plsc

NBUF = 4


@functools.cache
def _make_gather(num_rows: int, d: int, total: int, chunk: int):
    info = plsc.get_sparse_core_info()
    nw = info.num_cores * info.num_subcores
    assert total % nw == 0
    b_per_w = total // nw
    assert b_per_w % chunk == 0
    n_chunks = b_per_w // chunk
    assert n_chunks % NBUF == 0 and n_chunks >= 2 * NBUF
    mesh = plsc.VectorSubcoreMesh(core_axis_name="c", subcore_axis_name="s")

    scratch = (
        [pltpu.VMEM((chunk,), jnp.int32) for _ in range(NBUF)]
        + [pltpu.VMEM((chunk, d), jnp.float32) for _ in range(NBUF)]
        + [pltpu.SemaphoreType.DMA for _ in range(3 * NBUF)]
    )

    @functools.partial(
        pl.kernel,
        mesh=mesh,
        out_type=jax.ShapeDtypeStruct((total // chunk, chunk, d),
                                      jnp.float32),
        scratch_types=scratch,
    )
    def gather_kernel(table_hbm, idx_hbm, out_hbm, *bufs):
        idx_v = bufs[:NBUF]
        rows_v = bufs[NBUF:2 * NBUF]
        sem_g = bufs[2 * NBUF:3 * NBUF]
        st = bufs[3 * NBUF:4 * NBUF]
        si = bufs[4 * NBUF:5 * NBUF]
        wid = lax.axis_index("s") * info.num_cores + lax.axis_index("c")
        row0 = wid * (b_per_w // chunk)

        def wait_idx(b):
            pltpu.make_async_copy(
                idx_hbm.at[0], idx_v[b], si[b]).wait()

        def wait_store(b):
            pltpu.make_async_copy(rows_v[b], out_hbm.at[0], st[b]).wait()

        def wait_gather(b):
            pltpu.make_async_copy(
                table_hbm.at[idx_v[b]], rows_v[b], sem_g[b]).wait()

        for b in range(NBUF):
            pltpu.async_copy(idx_hbm.at[row0 + b], idx_v[b], si[b])

        wait_idx(0)
        pltpu.async_copy(table_hbm.at[idx_v[0]], rows_v[0], sem_g[0])

        def quad_body(j, carry):
            for k in range(NBUF):
                i = NBUF * j + k
                b = k
                p = (k - 1) % NBUF

                @pl.when(i > 0)
                def _advance():
                    wait_idx(b)

                    @pl.when(i >= NBUF)
                    def _():
                        wait_store(b)

                    pltpu.async_copy(table_hbm.at[idx_v[b]], rows_v[b],
                                     sem_g[b])
                    wait_gather(p)

                    @pl.when(i + NBUF - 1 < n_chunks)
                    def _():
                        pltpu.async_copy(
                            idx_hbm.at[row0 + i + NBUF - 1], idx_v[p], si[p])

                    pltpu.async_copy(rows_v[p], out_hbm.at[row0 + i - 1],
                                     st[p])
            return carry

        lax.fori_loop(0, n_chunks // NBUF, quad_body, 0)

        last = n_chunks - 1
        lb = last % NBUF
        wait_gather(lb)
        pltpu.async_copy(rows_v[lb], out_hbm.at[row0 + last], st[lb])
        for b in range(NBUF):
            wait_store(b)

    return gather_kernel


def kernel(new_token_ids, new_emb_weight):
    b, h = new_token_ids.shape
    v, d = new_emb_weight.shape
    idx = new_token_ids.astype(jnp.int32)
    return _make_gather(v, d, b * h, h)(new_emb_weight, idx)

# --- scband reference (transcript-rebuilt; emitter-appended) ---
"""Pipeline reference for scband-new-token-embedding-adapter-20280835571846 (READ-ONLY COPY).

The authoritative reference and input builder live on the scoring server;
editing this copy changes nothing except your own understanding.
"""

import jax, jax.numpy as jnp
import numpy as np

NUM_NEW_TOKENS = 100000
D_MODEL = 128
BATCH = 4096
HIST_LEN = 200

def setup_inputs(seed: int = 0) -> dict:
    key = jax.random.key(seed)
    k_idx, k_w = jax.random.split(key)
    new_token_ids = jax.random.randint(k_idx, (BATCH, HIST_LEN), 0, NUM_NEW_TOKENS, dtype=jnp.int64 if jax.config.jax_enable_x64 else jnp.int32)
    new_emb_weight = jax.random.normal(k_w, (NUM_NEW_TOKENS, D_MODEL), dtype=jnp.float32)
    return {"new_token_ids": new_token_ids, "new_emb_weight": new_emb_weight}

def reference(new_token_ids, new_emb_weight):
    # nn.Embedding forward: gather rows of the embedding table
    return jnp.take(new_emb_weight, new_token_ids, axis=0)

if __name__ == "__main__":
    import jax
    _d = setup_inputs()
    print(jax.jit(kernel)(*tuple(_d.values())))

</pallas_src>

<mosaic_0001>
#map = affine_map<(d0, d1) -> (0, 0)>
#map1 = affine_map<(d0, d1) -> (0, 0, 0)>
module attributes {stable_mosaic.version = 14 : i64} {
  func.func @gather_kernel(%arg0: i32, %arg1: i32, %arg2: memref<100000x128xf32, #tpu.memory_space<hbm>>, %arg3: memref<4096x200xi32, #tpu.memory_space<hbm>>, %arg4: memref<4096x200x128xf32, #tpu.memory_space<hbm>>, %arg5: memref<200xi32, #tpu.memory_space<vmem>>, %arg6: memref<200xi32, #tpu.memory_space<vmem>>, %arg7: memref<200xi32, #tpu.memory_space<vmem>>, %arg8: memref<200xi32, #tpu.memory_space<vmem>>, %arg9: memref<200x128xf32, #tpu.memory_space<vmem>>, %arg10: memref<200x128xf32, #tpu.memory_space<vmem>>, %arg11: memref<200x128xf32, #tpu.memory_space<vmem>>, %arg12: memref<200x128xf32, #tpu.memory_space<vmem>>, %arg13: memref<!tpu.dma_semaphore, #tpu.memory_space<semaphore_mem>>, %arg14: memref<!tpu.dma_semaphore, #tpu.memory_space<semaphore_mem>>, %arg15: memref<!tpu.dma_semaphore, #tpu.memory_space<semaphore_mem>>, %arg16: memref<!tpu.dma_semaphore, #tpu.memory_space<semaphore_mem>>, %arg17: memref<!tpu.dma_semaphore, #tpu.memory_space<semaphore_mem>>, %arg18: memref<!tpu.dma_semaphore, #tpu.memory_space<semaphore_mem>>, %arg19: memref<!tpu.dma_semaphore, #tpu.memory_space<semaphore_mem>>, %arg20: memref<!tpu.dma_semaphore, #tpu.memory_space<semaphore_mem>>, %arg21: memref<!tpu.dma_semaphore, #tpu.memory_space<semaphore_mem>>, %arg22: memref<!tpu.dma_semaphore, #tpu.memory_space<semaphore_mem>>, %arg23: memref<!tpu.dma_semaphore, #tpu.memory_space<semaphore_mem>>, %arg24: memref<!tpu.dma_semaphore, #tpu.memory_space<semaphore_mem>>) attributes {dimension_semantics = [#tpu.dimension_semantics<core_parallel>, #tpu.dimension_semantics<subcore_parallel>], iteration_bounds = array<i64: 2, 16>, scalar_prefetch = 0 : i64, scratch_operands = 20 : i64, tpu.core_type = #tpu.core_type<sc_vector_subcore>, window_params = [{transform_indices = #map}, {transform_indices = #map}, {transform_indices = #map1}]} {
    %mul3A = arith.constant 2 : i32
    %mul3A_0 = arith.muli %arg1, %mul3A : i32
    %add3A = arith.addi %mul3A_0, %arg0 : i32
    %mul3A_1 = arith.constant 128 : i32
    %mul3A_2 = arith.muli %add3A, %mul3A_1 : i32
    %add3A_3 = arith.constant 0 : i32
    %add3A_4 = arith.addi %mul3A_2, %add3A_3 : i32
    %dma_start3A = arith.constant 0 : i32
    %dma_start3A_5 = tpu.memref_slice %arg3[%add3A_4, %dma_start3A] : memref<4096x200xi32, #tpu.memory_space<hbm>> -> memref<1x200xi32, #tpu.memory_space<hbm>>
    %dma_start3A_6 = tpu.memref_squeeze %dma_start3A_5 : memref<1x200xi32, #tpu.memory_space<hbm>> -> memref<200xi32, #tpu.memory_space<hbm>>
    %dma_start3A_7 = arith.constant 0 : i32
    %dma_start3A_8 = tpu.memref_slice %arg3[%add3A_4, %dma_start3A_7] : memref<4096x200xi32, #tpu.memory_space<hbm>> -> memref<1x200xi32, #tpu.memory_space<hbm>>
    %dma_start3A_9 = tpu.memref_squeeze %dma_start3A_8 : memref<1x200xi32, #tpu.memory_space<hbm>> -> memref<200xi32, #tpu.memory_space<hbm>>
    tpu.enqueue_dma source(%dma_start3A_9 : memref<200xi32, #tpu.memory_space<hbm>>) target(%arg5 : memref<200xi32, #tpu.memory_space<vmem>>) target_semaphore(%arg21 : memref<!tpu.dma_semaphore, #tpu.memory_space<semaphore_mem>>)
    %add3A_10 = arith.constant 1 : i32
    %add3A_11 = arith.addi %mul3A_2, %add3A_10 : i32
    %dma_start3A_12 = arith.constant 0 : i32
    %dma_start3A_13 = tpu.memref_slice %arg3[%add3A_11, %dma_start3A_12] : memref<4096x200xi32, #tpu.memory_space<hbm>> -> memref<1x200xi32, #tpu.memory_space<hbm>>
    %dma_start3A_14 = tpu.memref_squeeze %dma_start3A_13 : memref<1x200xi32, #tpu.memory_space<hbm>> -> memref<200xi32, #tpu.memory_space<hbm>>
    %dma_start3A_15 = arith.constant 0 : i32
    %dma_start3A_16 = tpu.memref_slice %arg3[%add3A_11, %dma_start3A_15] : memref<4096x200xi32, #tpu.memory_space<hbm>> -> memref<1x200xi32, #tpu.memory_space<hbm>>
    %dma_start3A_17 = tpu.memref_squeeze %dma_start3A_16 : memref<1x200xi32, #tpu.memory_space<hbm>> -> memref<200xi32, #tpu.memory_space<hbm>>
    tpu.enqueue_dma source(%dma_start3A_17 : memref<200xi32, #tpu.memory_space<hbm>>) target(%arg6 : memref<200xi32, #tpu.memory_space<vmem>>) target_semaphore(%arg22 : memref<!tpu.dma_semaphore, #tpu.memory_space<semaphore_mem>>)
    %add3A_18 = arith.constant 2 : i32
    %add3A_19 = arith.addi %mul3A_2, %add3A_18 : i32
    %dma_start3A_20 = arith.constant 0 : i32
    %dma_start3A_21 = tpu.memref_slice %arg3[%add3A_19, %dma_start3A_20] : memref<4096x200xi32, #tpu.memory_space<hbm>> -> memref<1x200xi32, #tpu.memory_space<hbm>>
    %dma_start3A_22 = tpu.memref_squeeze %dma_start3A_21 : memref<1x200xi32, #tpu.memory_space<hbm>> -> memref<200xi32, #tpu.memory_space<hbm>>
    %dma_start3A_23 = arith.constant 0 : i32
    %dma_start3A_24 = tpu.memref_slice %arg3[%add3A_19, %dma_start3A_23] : memref<4096x200xi32, #tpu.memory_space<hbm>> -> memref<1x200xi32, #tpu.memory_space<hbm>>
    %dma_start3A_25 = tpu.memref_squeeze %dma_start3A_24 : memref<1x200xi32, #tpu.memory_space<hbm>> -> memref<200xi32, #tpu.memory_space<hbm>>
    tpu.enqueue_dma source(%dma_start3A_25 : memref<200xi32, #tpu.memory_space<hbm>>) target(%arg7 : memref<200xi32, #tpu.memory_space<vmem>>) target_semaphore(%arg23 : memref<!tpu.dma_semaphore, #tpu.memory_space<semaphore_mem>>)
    %add3A_26 = arith.constant 3 : i32
    %add3A_27 = arith.addi %mul3A_2, %add3A_26 : i32
    %dma_start3A_28 = arith.constant 0 : i32
    %dma_start3A_29 = tpu.memref_slice %arg3[%add3A_27, %dma_start3A_28] : memref<4096x200xi32, #tpu.memory_space<hbm>> -> memref<1x200xi32, #tpu.memory_space<hbm>>
    %dma_start3A_30 = tpu.memref_squeeze %dma_start3A_29 : memref<1x200xi32, #tpu.memory_space<hbm>> -> memref<200xi32, #tpu.memory_space<hbm>>
    %dma_start3A_31 = arith.constant 0 : i32
    %dma_start3A_32 = tpu.memref_slice %arg3[%add3A_27, %dma_start3A_31] : memref<4096x200xi32, #tpu.memory_space<hbm>> -> memref<1x200xi32, #tpu.memory_space<hbm>>
    %dma_start3A_33 = tpu.memref_squeeze %dma_start3A_32 : memref<1x200xi32, #tpu.memory_space<hbm>> -> memref<200xi32, #tpu.memory_space<hbm>>
    tpu.enqueue_dma source(%dma_start3A_33 : memref<200xi32, #tpu.memory_space<hbm>>) target(%arg8 : memref<200xi32, #tpu.memory_space<vmem>>) target_semaphore(%arg24 : memref<!tpu.dma_semaphore, #tpu.memory_space<semaphore_mem>>)
    %dma_wait3A = arith.constant 0 : i32
    %dma_wait3A_34 = arith.constant 0 : i32
    %dma_wait3A_35 = tpu.memref_slice %arg3[%dma_wait3A, %dma_wait3A_34] : memref<4096x200xi32, #tpu.memory_space<hbm>> -> memref<1x200xi32, #tpu.memory_space<hbm>>
    %dma_wait3A_36 = tpu.memref_squeeze %dma_wait3A_35 : memref<1x200xi32, #tpu.memory_space<hbm>> -> memref<200xi32, #tpu.memory_space<hbm>>
    %dma_wait3A_37 = arith.constant 0 : i32
    %dma_wait3A_38 = tpu.memref_slice %arg3[%dma_wait3A, %dma_wait3A_37] : memref<4096x200xi32, #tpu.memory_space<hbm>> -> memref<1x200xi32, #tpu.memory_space<hbm>>
    %dma_wait3A_39 = tpu.memref_squeeze %dma_wait3A_38 : memref<1x200xi32, #tpu.memory_space<hbm>> -> memref<200xi32, #tpu.memory_space<hbm>>
    tpu.wait_dma2 semaphore(%arg21 : memref<!tpu.dma_semaphore, #tpu.memory_space<semaphore_mem>>) src(%dma_wait3A_39 : memref<200xi32, #tpu.memory_space<hbm>>) dst(%arg5 : memref<200xi32, #tpu.memory_space<vmem>>)
    %dma_start3A_40 = arith.constant 0 : i32
    %dma_start3A_41 = arith.constant 0 : i32
    %dma_start3A_42 = tpu.memref_slice %arg2[%dma_start3A_40, %dma_start3A_41] : memref<100000x128xf32, #tpu.memory_space<hbm>> -> memref<100000x128xf32, #tpu.memory_space<hbm>>
    tpu.enqueue_indirect_dma source(%dma_start3A_42 : memref<100000x128xf32, #tpu.memory_space<hbm>>) target(%arg9 : memref<200x128xf32, #tpu.memory_space<vmem>>) offsets(%arg5 : memref<200xi32, #tpu.memory_space<vmem>>) semaphore(%arg13 : memref<!tpu.dma_semaphore, #tpu.memory_space<semaphore_mem>>)
    %scan3A = arith.constant 0 : i32
    %scan3A_43 = arith.constant 0 : i32
    %scan3A_44 = arith.constant 32 : i32
    %scan3A_45 = arith.addi %scan3A_43, %scan3A_44 : i32
    %scan3A_46 = arith.constant 1 : i32
    scf.for %scan3A_97 = %scan3A_43 to %scan3A_45 step %scan3A_46  : i32 {
      %mul3A_98 = arith.constant 4 : i32
      %mul3A_99 = arith.muli %mul3A_98, %scan3A_97 : i32
      %add3A_100 = arith.constant 0 : i32
      %add3A_101 = arith.addi %mul3A_99, %add3A_100 : i32
      %gt3A = arith.constant 0 : i32
      %gt3A_102 = arith.cmpi sgt, %add3A_101, %gt3A : i32
      %convert_element_type3A = arith.extui %gt3A_102 : i1 to i32
      %cond3A = arith.constant 0 : i32
      %cond3A_103 = arith.cmpi ne, %convert_element_type3A, %cond3A : i32
      scf.if %cond3A_103 {
        %dma_wait3A_131 = arith.constant 0 : i32
        %dma_wait3A_132 = arith.constant 0 : i32
        %dma_wait3A_133 = tpu.memref_slice %arg3[%dma_wait3A_131, %dma_wait3A_132] : memref<4096x200xi32, #tpu.memory_space<hbm>> -> memref<1x200xi32, #tpu.memory_space<hbm>>
        %dma_wait3A_134 = tpu.memref_squeeze %dma_wait3A_133 : memref<1x200xi32, #tpu.memory_space<hbm>> -> memref<200xi32, #tpu.memory_space<hbm>>
        %dma_wait3A_135 = arith.constant 0 : i32
        %dma_wait3A_136 = tpu.memref_slice %arg3[%dma_wait3A_131, %dma_wait3A_135] : memref<4096x200xi32, #tpu.memory_space<hbm>> -> memref<1x200xi32, #tpu.memory_space<hbm>>
        %dma_wait3A_137 = tpu.memref_squeeze %dma_wait3A_136 : memref<1x200xi32, #tpu.memory_space<hbm>> -> memref<200xi32, #tpu.memory_space<hbm>>
        tpu.wait_dma2 semaphore(%arg21 : memref<!tpu.dma_semaphore, #tpu.memory_space<semaphore_mem>>) src(%dma_wait3A_137 : memref<200xi32, #tpu.memory_space<hbm>>) dst(%arg5 : memref<200xi32, #tpu.memory_space<vmem>>)
        %ge3A = arith.constant 4 : i32
        %ge3A_138 = arith.cmpi sge, %add3A_101, %ge3A : i32
        %convert_element_type3A_139 = arith.extui %ge3A_138 : i1 to i32
        %cond3A_140 = arith.constant 0 : i32
        %cond3A_141 = arith.cmpi ne, %convert_element_type3A_139, %cond3A_140 : i32
        scf.if %cond3A_141 {
          %dma_wait3A_166 = arith.constant 0 : i32
          %dma_wait3A_167 = arith.constant 0 : i32
          %dma_wait3A_168 = arith.constant 0 : i32
          %dma_wait3A_169 = tpu.memref_slice %arg4[%dma_wait3A_166, %dma_wait3A_167, %dma_wait3A_168] : memref<4096x200x128xf32, #tpu.memory_space<hbm>> -> memref<1x200x128xf32, #tpu.memory_space<hbm>>
          %dma_wait3A_170 = tpu.memref_squeeze %dma_wait3A_169 : memref<1x200x128xf32, #tpu.memory_space<hbm>> -> memref<200x128xf32, #tpu.memory_space<hbm>>
          %dma_wait3A_171 = arith.constant 0 : i32
          %dma_wait3A_172 = arith.constant 0 : i32
          %dma_wait3A_173 = tpu.memref_slice %arg4[%dma_wait3A_166, %dma_wait3A_171, %dma_wait3A_172] : memref<4096x200x128xf32, #tpu.memory_space<hbm>> -> memref<1x200x128xf32, #tpu.memory_space<hbm>>
          %dma_wait3A_174 = tpu.memref_squeeze %dma_wait3A_173 : memref<1x200x128xf32, #tpu.memory_space<hbm>> -> memref<200x128xf32, #tpu.memory_space<hbm>>
          tpu.wait_dma2 semaphore(%arg17 : memref<!tpu.dma_semaphore, #tpu.memory_space<semaphore_mem>>) src(%arg9 : memref<200x128xf32, #tpu.memory_space<vmem>>) dst(%dma_wait3A_174 : memref<200x128xf32, #tpu.memory_space<hbm>>)
        } else {
        }
        %dma_start3A_142 = arith.constant 0 : i32
        %dma_start3A_143 = arith.constant 0 : i32
        %dma_start3A_144 = tpu.memref_slice %arg2[%dma_start3A_142, %dma_start3A_143] : memref<100000x128xf32, #tpu.memory_space<hbm>> -> memref<100000x128xf32, #tpu.memory_space<hbm>>
        tpu.enqueue_indirect_dma source(%dma_start3A_144 : memref<100000x128xf32, #tpu.memory_space<hbm>>) target(%arg9 : memref<200x128xf32, #tpu.memory_space<vmem>>) offsets(%arg5 : memref<200xi32, #tpu.memory_space<vmem>>) semaphore(%arg13 : memref<!tpu.dma_semaphore, #tpu.memory_space<semaphore_mem>>)
        %dma_wait3A_145 = arith.constant 0 : i32
        %dma_wait3A_146 = arith.constant 0 : i32
        %dma_wait3A_147 = tpu.memref_slice %arg2[%dma_wait3A_145, %dma_wait3A_146] : memref<100000x128xf32, #tpu.memory_space<hbm>> -> memref<100000x128xf32, #tpu.memory_space<hbm>>
        tpu.wait_indirect_dma semaphore(%arg16 : memref<!tpu.dma_semaphore, #tpu.memory_space<semaphore_mem>>) src(%dma_wait3A_147 : memref<100000x128xf32, #tpu.memory_space<hbm>>) dst(%arg12 : memref<200x128xf32, #tpu.memory_space<vmem>>)
        %add3A_148 = arith.constant 4 : i32
        %add3A_149 = arith.addi %add3A_101, %add3A_148 : i32
        %sub3A = arith.constant 1 : i32
        %sub3A_150 = arith.subi %add3A_149, %sub3A : i32
        %lt3A = arith.constant 128 : i32
        %lt3A_151 = arith.cmpi slt, %sub3A_150, %lt3A : i32
        %convert_element_type3A_152 = arith.extui %lt3A_151 : i1 to i32
        %cond3A_153 = arith.constant 0 : i32
        %cond3A_154 = arith.cmpi ne, %convert_element_type3A_152, %cond3A_153 : i32
        scf.if %cond3A_154 {
          %add3A_166 = arith.addi %mul3A_2, %add3A_101 : i32
          %add3A_167 = arith.constant 4 : i32
          %add3A_168 = arith.addi %add3A_166, %add3A_167 : i32
          %sub3A_169 = arith.constant 1 : i32
          %sub3A_170 = arith.subi %add3A_168, %sub3A_169 : i32
          %dma_start3A_171 = arith.constant 0 : i32
          %dma_start3A_172 = tpu.memref_slice %arg3[%sub3A_170, %dma_start3A_171] : memref<4096x200xi32, #tpu.memory_space<hbm>> -> memref<1x200xi32, #tpu.memory_space<hbm>>
          %dma_start3A_173 = tpu.memref_squeeze %dma_start3A_172 : memref<1x200xi32, #tpu.memory_space<hbm>> -> memref<200xi32, #tpu.memory_space<hbm>>
          %dma_start3A_174 = arith.constant 0 : i32
          %dma_start3A_175 = tpu.memref_slice %arg3[%sub3A_170, %dma_start3A_174] : memref<4096x200xi32, #tpu.memory_space<hbm>> -> memref<1x200xi32, #tpu.memory_space<hbm>>
          %dma_start3A_176 = tpu.memref_squeeze %dma_start3A_175 : memref<1x200xi32, #tpu.memory_space<hbm>> -> memref<200xi32, #tpu.memory_space<hbm>>
          tpu.enqueue_dma source(%dma_start3A_176 : memref<200xi32, #tpu.memory_space<hbm>>) target(%arg8 : memref<200xi32, #tpu.memory_space<vmem>>) target_semaphore(%arg24 : memref<!tpu.dma_semaphore, #tpu.memory_space<semaphore_mem>>)
        } else {
        }
        %add3A_155 = arith.addi %mul3A_2, %add3A_101 : i32
        %sub3A_156 = arith.constant 1 : i32
        %sub3A_157 = arith.subi %add3A_155, %sub3A_156 : i32
        %dma_start3A_158 = arith.constant 0 : i32
        %dma_start3A_159 = arith.constant 0 : i32
        %dma_start3A_160 = tpu.memref_slice %arg4[%sub3A_157, %dma_start3A_158, %dma_start3A_159] : memref<4096x200x128xf32, #tpu.memory_space<hbm>> -> memref<1x200x128xf32, #tpu.memory_space<hbm>>
        %dma_start3A_161 = tpu.memref_squeeze %dma_start3A_160 : memref<1x200x128xf32, #tpu.memory_space<hbm>> -> memref<200x128xf32, #tpu.memory_space<hbm>>
        %dma_start3A_162 = arith.constant 0 : i32
        %dma_start3A_163 = arith.constant 0 : i32
        %dma_start3A_164 = tpu.memref_slice %arg4[%sub3A_157, %dma_start3A_162, %dma_start3A_163] : memref<4096x200x128xf32, #tpu.memory_space<hbm>> -> memref<1x200x128xf32, #tpu.memory_space<hbm>>
        %dma_start3A_165 = tpu.memref_squeeze %dma_start3A_164 : memref<1x200x128xf32, #tpu.memory_space<hbm>> -> memref<200x128xf32, #tpu.memory_space<hbm>>
        tpu.enqueue_dma source(%arg12 : memref<200x128xf32, #tpu.memory_space<vmem>>) target(%dma_start3A_165 : memref<200x128xf32, #tpu.memory_space<hbm>>) target_semaphore(%arg20 : memref<!tpu.dma_semaphore, #tpu.memory_space<semaphore_mem>>)
      } else {
      }
      %mul3A_104 = arith.constant 4 : i32
      %mul3A_105 = arith.muli %mul3A_104, %scan3A_97 : i32
      %add3A_106 = arith.constant 1 : i32
      %add3A_107 = arith.addi %mul3A_105, %add3A_106 : i32
      %gt3A_108 = arith.constant 0 : i32
      %gt3A_109 = arith.cmpi sgt, %add3A_107, %gt3A_108 : i32
      %convert_element_type3A_110 = arith.extui %gt3A_109 : i1 to i32
      %cond3A_111 = arith.constant 0 : i32
      %cond3A_112 = arith.cmpi ne, %convert_element_type3A_110, %cond3A_111 : i32
      scf.if %cond3A_112 {
        %dma_wait3A_131 = arith.constant 0 : i32
        %dma_wait3A_132 = arith.constant 0 : i32
        %dma_wait3A_133 = tpu.memref_slice %arg3[%dma_wait3A_131, %dma_wait3A_132] : memref<4096x200xi32, #tpu.memory_space<hbm>> -> memref<1x200xi32, #tpu.memory_space<hbm>>
        %dma_wait3A_134 = tpu.memref_squeeze %dma_wait3A_133 : memref<1x200xi32, #tpu.memory_space<hbm>> -> memref<200xi32, #tpu.memory_space<hbm>>
        %dma_wait3A_135 = arith.constant 0 : i32
        %dma_wait3A_136 = tpu.memref_slice %arg3[%dma_wait3A_131, %dma_wait3A_135] : memref<4096x200xi32, #tpu.memory_space<hbm>> -> memref<1x200xi32, #tpu.memory_space<hbm>>
        %dma_wait3A_137 = tpu.memref_squeeze %dma_wait3A_136 : memref<1x200xi32, #tpu.memory_space<hbm>> -> memref<200xi32, #tpu.memory_space<hbm>>
        tpu.wait_dma2 semaphore(%arg22 : memref<!tpu.dma_semaphore, #tpu.memory_space<semaphore_mem>>) src(%dma_wait3A_137 : memref<200xi32, #tpu.memory_space<hbm>>) dst(%arg6 : memref<200xi32, #tpu.memory_space<vmem>>)
        %ge3A = arith.constant 4 : i32
        %ge3A_138 = arith.cmpi sge, %add3A_107, %ge3A : i32
        %convert_element_type3A_139 = arith.extui %ge3A_138 : i1 to i32
        %cond3A_140 = arith.constant 0 : i32
        %cond3A_141 = arith.cmpi ne, %convert_element_type3A_139, %cond3A_140 : i32
        scf.if %cond3A_141 {
          %dma_wait3A_166 = arith.constant 0 : i32
          %dma_wait3A_167 = arith.constant 0 : i32
          %dma_wait3A_168 = arith.constant 0 : i32
          %dma_wait3A_169 = tpu.memref_slice %arg4[%dma_wait3A_166, %dma_wait3A_167, %dma_wait3A_168] : memref<4096x200x128xf32, #tpu.memory_space<hbm>> -> memref<1x200x128xf32, #tpu.memory_space<hbm>>
          %dma_wait3A_170 = tpu.memref_squeeze %dma_wait3A_169 : memref<1x200x128xf32, #tpu.memory_space<hbm>> -> memref<200x128xf32, #tpu.memory_space<hbm>>
          %dma_wait3A_171 = arith.constant 0 : i32
          %dma_wait3A_172 = arith.constant 0 : i32
          %dma_wait3A_173 = tpu.memref_slice %arg4[%dma_wait3A_166, %dma_wait3A_171, %dma_wait3A_172] : memref<4096x200x128xf32, #tpu.memory_space<hbm>> -> memref<1x200x128xf32, #tpu.memory_space<hbm>>
          %dma_wait3A_174 = tpu.memref_squeeze %dma_wait3A_173 : memref<1x200x128xf32, #tpu.memory_space<hbm>> -> memref<200x128xf32, #tpu.memory_space<hbm>>
          tpu.wait_dma2 semaphore(%arg18 : memref<!tpu.dma_semaphore, #tpu.memory_space<semaphore_mem>>) src(%arg10 : memref<200x128xf32, #tpu.memory_space<vmem>>) dst(%dma_wait3A_174 : memref<200x128xf32, #tpu.memory_space<hbm>>)
        } else {
        }
        %dma_start3A_142 = arith.constant 0 : i32
        %dma_start3A_143 = arith.constant 0 : i32
        %dma_start3A_144 = tpu.memref_slice %arg2[%dma_start3A_142, %dma_start3A_143] : memref<100000x128xf32, #tpu.memory_space<hbm>> -> memref<100000x128xf32, #tpu.memory_space<hbm>>
        tpu.enqueue_indirect_dma source(%dma_start3A_144 : memref<100000x128xf32, #tpu.memory_space<hbm>>) target(%arg10 : memref<200x128xf32, #tpu.memory_space<vmem>>) offsets(%arg6 : memref<200xi32, #tpu.memory_space<vmem>>) semaphore(%arg14 : memref<!tpu.dma_semaphore, #tpu.memory_space<semaphore_mem>>)
        %dma_wait3A_145 = arith.constant 0 : i32
        %dma_wait3A_146 = arith.constant 0 : i32
        %dma_wait3A_147 = tpu.memref_slice %arg2[%dma_wait3A_145, %dma_wait3A_146] : memref<100000x128xf32, #tpu.memory_space<hbm>> -> memref<100000x128xf32, #tpu.memory_space<hbm>>
        tpu.wait_indirect_dma semaphore(%arg13 : memref<!tpu.dma_semaphore, #tpu.memory_space<semaphore_mem>>) src(%dma_wait3A_147 : memref<100000x128xf32, #tpu.memory_space<hbm>>) dst(%arg9 : memref<200x128xf32, #tpu.memory_space<vmem>>)
        %add3A_148 = arith.constant 4 : i32
        %add3A_149 = arith.addi %add3A_107, %add3A_148 : i32
        %sub3A = arith.constant 1 : i32
        %sub3A_150 = arith.subi %add3A_149, %sub3A : i32
        %lt3A = arith.constant 128 : i32
        %lt3A_151 = arith.cmpi slt, %sub3A_150, %lt3A : i32
        %convert_element_type3A_152 = arith.extui %lt3A_151 : i1 to i32
        %cond3A_153 = arith.constant 0 : i32
        %cond3A_154 = arith.cmpi ne, %convert_element_type3A_152, %cond3A_153 : i32
        scf.if %cond3A_154 {
          %add3A_166 = arith.addi %mul3A_2, %add3A_107 : i32
          %add3A_167 = arith.constant 4 : i32
          %add3A_168 = arith.addi %add3A_166, %add3A_167 : i32
          %sub3A_169 = arith.constant 1 : i32
          %sub3A_170 = arith.subi %add3A_168, %sub3A_169 : i32
          %dma_start3A_171 = arith.constant 0 : i32
          %dma_start3A_172 = tpu.memref_slice %arg3[%sub3A_170, %dma_start3A_171] : memref<4096x200xi32, #tpu.memory_space<hbm>> -> memref<1x200xi32, #tpu.memory_space<hbm>>
          %dma_start3A_173 = tpu.memref_squeeze %dma_start3A_172 : memref<1x200xi32, #tpu.memory_space<hbm>> -> memref<200xi32, #tpu.memory_space<hbm>>
          %dma_start3A_174 = arith.constant 0 : i32
          %dma_start3A_175 = tpu.memref_slice %arg3[%sub3A_170, %dma_start3A_174] : memref<4096x200xi32, #tpu.memory_space<hbm>> -> memref<1x200xi32, #tpu.memory_space<hbm>>
          %dma_start3A_176 = tpu.memref_squeeze %dma_start3A_175 : memref<1x200xi32, #tpu.memory_space<hbm>> -> memref<200xi32, #tpu.memory_space<hbm>>
          tpu.enqueue_dma source(%dma_start3A_176 : memref<200xi32, #tpu.memory_space<hbm>>) target(%arg5 : memref<200xi32, #tpu.memory_space<vmem>>) target_semaphore(%arg21 : memref<!tpu.dma_semaphore, #tpu.memory_space<semaphore_mem>>)
        } else {
        }
        %add3A_155 = arith.addi %mul3A_2, %add3A_107 : i32
        %sub3A_156 = arith.constant 1 : i32
        %sub3A_157 = arith.subi %add3A_155, %sub3A_156 : i32
        %dma_start3A_158 = arith.constant 0 : i32
        %dma_start3A_159 = arith.constant 0 : i32
        %dma_start3A_160 = tpu.memref_slice %arg4[%sub3A_157, %dma_start3A_158, %dma_start3A_159] : memref<4096x200x128xf32, #tpu.memory_space<hbm>> -> memref<1x200x128xf32, #tpu.memory_space<hbm>>
        %dma_start3A_161 = tpu.memref_squeeze %dma_start3A_160 : memref<1x200x128xf32, #tpu.memory_space<hbm>> -> memref<200x128xf32, #tpu.memory_space<hbm>>
        %dma_start3A_162 = arith.constant 0 : i32
        %dma_start3A_163 = arith.constant 0 : i32
        %dma_start3A_164 = tpu.memref_slice %arg4[%sub3A_157, %dma_start3A_162, %dma_start3A_163] : memref<4096x200x128xf32, #tpu.memory_space<hbm>> -> memref<1x200x128xf32, #tpu.memory_space<hbm>>
        %dma_start3A_165 = tpu.memref_squeeze %dma_start3A_164 : memref<1x200x128xf32, #tpu.memory_space<hbm>> -> memref<200x128xf32, #tpu.memory_space<hbm>>
        tpu.enqueue_dma source(%arg9 : memref<200x128xf32, #tpu.memory_space<vmem>>) target(%dma_start3A_165 : memref<200x128xf32, #tpu.memory_space<hbm>>) target_semaphore(%arg17 : memref<!tpu.dma_semaphore, #tpu.memory_space<semaphore_mem>>)
      } else {
      }
      %mul3A_113 = arith.constant 4 : i32
      %mul3A_114 = arith.muli %mul3A_113, %scan3A_97 : i32
      %add3A_115 = arith.constant 2 : i32
      %add3A_116 = arith.addi %mul3A_114, %add3A_115 : i32
      %gt3A_117 = arith.constant 0 : i32
      %gt3A_118 = arith.cmpi sgt, %add3A_116, %gt3A_117 : i32
      %convert_element_type3A_119 = arith.extui %gt3A_118 : i1 to i32
      %cond3A_120 = arith.constant 0 : i32
      %cond3A_121 = arith.cmpi ne, %convert_element_type3A_119, %cond3A_120 : i32
      scf.if %cond3A_121 {
        %dma_wait3A_131 = arith.constant 0 : i32
        %dma_wait3A_132 = arith.constant 0 : i32
        %dma_wait3A_133 = tpu.memref_slice %arg3[%dma_wait3A_131, %dma_wait3A_132] : memref<4096x200xi32, #tpu.memory_space<hbm>> -> memref<1x200xi32, #tpu.memory_space<hbm>>
        %dma_wait3A_134 = tpu.memref_squeeze %dma_wait3A_133 : memref<1x200xi32, #tpu.memory_space<hbm>> -> memref<200xi32, #tpu.memory_space<hbm>>
        %dma_wait3A_135 = arith.constant 0 : i32
        %dma_wait3A_136 = tpu.memref_slice %arg3[%dma_wait3A_131, %dma_wait3A_135] : memref<4096x200xi32, #tpu.memory_space<hbm>> -> memref<1x200xi32, #tpu.memory_space<hbm>>
        %dma_wait3A_137 = tpu.memref_squeeze %dma_wait3A_136 : memref<1x200xi32, #tpu.memory_space<hbm>> -> memref<200xi32, #tpu.memory_space<hbm>>
        tpu.wait_dma2 semaphore(%arg23 : memref<!tpu.dma_semaphore, #tpu.memory_space<semaphore_mem>>) src(%dma_wait3A_137 : memref<200xi32, #tpu.memory_space<hbm>>) dst(%arg7 : memref<200xi32, #tpu.memory_space<vmem>>)
        %ge3A = arith.constant 4 : i32
        %ge3A_138 = arith.cmpi sge, %add3A_116, %ge3A : i32
        %convert_element_type3A_139 = arith.extui %ge3A_138 : i1 to i32
        %cond3A_140 = arith.constant 0 : i32
        %cond3A_141 = arith.cmpi ne, %convert_element_type3A_139, %cond3A_140 : i32
        scf.if %cond3A_141 {
          %dma_wait3A_166 = arith.constant 0 : i32
          %dma_wait3A_167 = arith.constant 0 : i32
          %dma_wait3A_168 = arith.constant 0 : i32
          %dma_wait3A_169 = tpu.memref_slice %arg4[%dma_wait3A_166, %dma_wait3A_167, %dma_wait3A_168] : memref<4096x200x128xf32, #tpu.memory_space<hbm>> -> memref<1x200x128xf32, #tpu.memory_space<hbm>>
          %dma_wait3A_170 = tpu.memref_squeeze %dma_wait3A_169 : memref<1x200x128xf32, #tpu.memory_space<hbm>> -> memref<200x128xf32, #tpu.memory_space<hbm>>
          %dma_wait3A_171 = arith.constant 0 : i32
          %dma_wait3A_172 = arith.constant 0 : i32
          %dma_wait3A_173 = tpu.memref_slice %arg4[%dma_wait3A_166, %dma_wait3A_171, %dma_wait3A_172] : memref<4096x200x128xf32, #tpu.memory_space<hbm>> -> memref<1x200x128xf32, #tpu.memory_space<hbm>>
          %dma_wait3A_174 = tpu.memref_squeeze %dma_wait3A_173 : memref<1x200x128xf32, #tpu.memory_space<hbm>> -> memref<200x128xf32, #tpu.memory_space<hbm>>
          tpu.wait_dma2 semaphore(%arg19 : memref<!tpu.dma_semaphore, #tpu.memory_space<semaphore_mem>>) src(%arg11 : memref<200x128xf32, #tpu.memory_space<vmem>>) dst(%dma_wait3A_174 : memref<200x128xf32, #tpu.memory_space<hbm>>)
        } else {
        }
        %dma_start3A_142 = arith.constant 0 : i32
        %dma_start3A_143 = arith.constant 0 : i32
        %dma_start3A_144 = tpu.memref_slice %arg2[%dma_start3A_142, %dma_start3A_143] : memref<100000x128xf32, #tpu.memory_space<hbm>> -> memref<100000x128xf32, #tpu.memory_space<hbm>>
        tpu.enqueue_indirect_dma source(%dma_start3A_144 : memref<100000x128xf32, #tpu.memory_space<hbm>>) target(%arg11 : memref<200x128xf32, #tpu.memory_space<vmem>>) offsets(%arg7 : memref<200xi32, #tpu.memory_space<vmem>>) semaphore(%arg15 : memref<!tpu.dma_semaphore, #tpu.memory_space<semaphore_mem>>)
        %dma_wait3A_145 = arith.constant 0 : i32
        %dma_wait3A_146 = arith.constant 0 : i32
        %dma_wait3A_147 = tpu.memref_slice %arg2[%dma_wait3A_145, %dma_wait3A_146] : memref<100000x128xf32, #tpu.memory_space<hbm>> -> memref<100000x128xf32, #tpu.memory_space<hbm>>
        tpu.wait_indirect_dma semaphore(%arg14 : memref<!tpu.dma_semaphore, #tpu.memory_space<semaphore_mem>>) src(%dma_wait3A_147 : memref<100000x128xf32, #tpu.memory_space<hbm>>) dst(%arg10 : memref<200x128xf32, #tpu.memory_space<vmem>>)
        %add3A_148 = arith.constant 4 : i32
        %add3A_149 = arith.addi %add3A_116, %add3A_148 : i32
        %sub3A = arith.constant 1 : i32
        %sub3A_150 = arith.subi %add3A_149, %sub3A : i32
        %lt3A = arith.constant 128 : i32
        %lt3A_151 = arith.cmpi slt, %sub3A_150, %lt3A : i32
        %convert_element_type3A_152 = arith.extui %lt3A_151 : i1 to i32
        %cond3A_153 = arith.constant 0 : i32
        %cond3A_154 = arith.cmpi ne, %convert_element_type3A_152, %cond3A_153 : i32
        scf.if %cond3A_154 {
          %add3A_166 = arith.addi %mul3A_2, %add3A_116 : i32
          %add3A_167 = arith.constant 4 : i32
          %add3A_168 = arith.addi %add3A_166, %add3A_167 : i32
          %sub3A_169 = arith.constant 1 : i32
          %sub3A_170 = arith.subi %add3A_168, %sub3A_169 : i32
          %dma_start3A_171 = arith.constant 0 : i32
          %dma_start3A_172 = tpu.memref_slice %arg3[%sub3A_170, %dma_start3A_171] : memref<4096x200xi32, #tpu.memory_space<hbm>> -> memref<1x200xi32, #tpu.memory_space<hbm>>
          %dma_start3A_173 = tpu.memref_squeeze %dma_start3A_172 : memref<1x200xi32, #tpu.memory_space<hbm>> -> memref<200xi32, #tpu.memory_space<hbm>>
          %dma_start3A_174 = arith.constant 0 : i32
          %dma_start3A_175 = tpu.memref_slice %arg3[%sub3A_170, %dma_start3A_174] : memref<4096x200xi32, #tpu.memory_space<hbm>> -> memref<1x200xi32, #tpu.memory_space<hbm>>
          %dma_start3A_176 = tpu.memref_squeeze %dma_start3A_175 : memref<1x200xi32, #tpu.memory_space<hbm>> -> memref<200xi32, #tpu.memory_space<hbm>>
          tpu.enqueue_dma source(%dma_start3A_176 : memref<200xi32, #tpu.memory_space<hbm>>) target(%arg6 : memref<200xi32, #tpu.memory_space<vmem>>) target_semaphore(%arg22 : memref<!tpu.dma_semaphore, #tpu.memory_space<semaphore_mem>>)
        } else {
        }
        %add3A_155 = arith.addi %mul3A_2, %add3A_116 : i32
        %sub3A_156 = arith.constant 1 : i32
        %sub3A_157 = arith.subi %add3A_155, %sub3A_156 : i32
        %dma_start3A_158 = arith.constant 0 : i32
        %dma_start3A_159 = arith.constant 0 : i32
        %dma_start3A_160 = tpu.memref_slice %arg4[%sub3A_157, %dma_start3A_158, %dma_start3A_159] : memref<4096x200x128xf32, #tpu.memory_space<hbm>> -> memref<1x200x128xf32, #tpu.memory_space<hbm>>
        %dma_start3A_161 = tpu.memref_squeeze %dma_start3A_160 : memref<1x200x128xf32, #tpu.memory_space<hbm>> -> memref<200x128xf32, #tpu.memory_space<hbm>>
        %dma_start3A_162 = arith.constant 0 : i32
        %dma_start3A_163 = arith.constant 0 : i32
        %dma_start3A_164 = tpu.memref_slice %arg4[%sub3A_157, %dma_start3A_162, %dma_start3A_163] : memref<4096x200x128xf32, #tpu.memory_space<hbm>> -> memref<1x200x128xf32, #tpu.memory_space<hbm>>
        %dma_start3A_165 = tpu.memref_squeeze %dma_start3A_164 : memref<1x200x128xf32, #tpu.memory_space<hbm>> -> memref<200x128xf32, #tpu.memory_space<hbm>>
        tpu.enqueue_dma source(%arg10 : memref<200x128xf32, #tpu.memory_space<vmem>>) target(%dma_start3A_165 : memref<200x128xf32, #tpu.memory_space<hbm>>) target_semaphore(%arg18 : memref<!tpu.dma_semaphore, #tpu.memory_space<semaphore_mem>>)
      } else {
      }
      %mul3A_122 = arith.constant 4 : i32
      %mul3A_123 = arith.muli %mul3A_122, %scan3A_97 : i32
      %add3A_124 = arith.constant 3 : i32
      %add3A_125 = arith.addi %mul3A_123, %add3A_124 : i32
      %gt3A_126 = arith.constant 0 : i32
      %gt3A_127 = arith.cmpi sgt, %add3A_125, %gt3A_126 : i32
      %convert_element_type3A_128 = arith.extui %gt3A_127 : i1 to i32
      %cond3A_129 = arith.constant 0 : i32
      %cond3A_130 = arith.cmpi ne, %convert_element_type3A_128, %cond3A_129 : i32
      scf.if %cond3A_130 {
        %dma_wait3A_131 = arith.constant 0 : i32
        %dma_wait3A_132 = arith.constant 0 : i32
        %dma_wait3A_133 = tpu.memref_slice %arg3[%dma_wait3A_131, %dma_wait3A_132] : memref<4096x200xi32, #tpu.memory_space<hbm>> -> memref<1x200xi32, #tpu.memory_space<hbm>>
        %dma_wait3A_134 = tpu.memref_squeeze %dma_wait3A_133 : memref<1x200xi32, #tpu.memory_space<hbm>> -> memref<200xi32, #tpu.memory_space<hbm>>
        %dma_wait3A_135 = arith.constant 0 : i32
        %dma_wait3A_136 = tpu.memref_slice %arg3[%dma_wait3A_131, %dma_wait3A_135] : memref<4096x200xi32, #tpu.memory_space<hbm>> -> memref<1x200xi32, #tpu.memory_space<hbm>>
        %dma_wait3A_137 = tpu.memref_squeeze %dma_wait3A_136 : memref<1x200xi32, #tpu.memory_space<hbm>> -> memref<200xi32, #tpu.memory_space<hbm>>
        tpu.wait_dma2 semaphore(%arg24 : memref<!tpu.dma_semaphore, #tpu.memory_space<semaphore_mem>>) src(%dma_wait3A_137 : memref<200xi32, #tpu.memory_space<hbm>>) dst(%arg8 : memref<200xi32, #tpu.memory_space<vmem>>)
        %ge3A = arith.constant 4 : i32
        %ge3A_138 = arith.cmpi sge, %add3A_125, %ge3A : i32
        %convert_element_type3A_139 = arith.extui %ge3A_138 : i1 to i32
        %cond3A_140 = arith.constant 0 : i32
        %cond3A_141 = arith.cmpi ne, %convert_element_type3A_139, %cond3A_140 : i32
        scf.if %cond3A_141 {
          %dma_wait3A_166 = arith.constant 0 : i32
          %dma_wait3A_167 = arith.constant 0 : i32
          %dma_wait3A_168 = arith.constant 0 : i32
          %dma_wait3A_169 = tpu.memref_slice %arg4[%dma_wait3A_166, %dma_wait3A_167, %dma_wait3A_168] : memref<4096x200x128xf32, #tpu.memory_space<hbm>> -> memref<1x200x128xf32, #tpu.memory_space<hbm>>
          %dma_wait3A_170 = tpu.memref_squeeze %dma_wait3A_169 : memref<1x200x128xf32, #tpu.memory_space<hbm>> -> memref<200x128xf32, #tpu.memory_space<hbm>>
          %dma_wait3A_171 = arith.constant 0 : i32
          %dma_wait3A_172 = arith.constant 0 : i32
          %dma_wait3A_173 = tpu.memref_slice %arg4[%dma_wait3A_166, %dma_wait3A_171, %dma_wait3A_172] : memref<4096x200x128xf32, #tpu.memory_space<hbm>> -> memref<1x200x128xf32, #tpu.memory_space<hbm>>
          %dma_wait3A_174 = tpu.memref_squeeze %dma_wait3A_173 : memref<1x200x128xf32, #tpu.memory_space<hbm>> -> memref<200x128xf32, #tpu.memory_space<hbm>>
          tpu.wait_dma2 semaphore(%arg20 : memref<!tpu.dma_semaphore, #tpu.memory_space<semaphore_mem>>) src(%arg12 : memref<200x128xf32, #tpu.memory_space<vmem>>) dst(%dma_wait3A_174 : memref<200x128xf32, #tpu.memory_space<hbm>>)
        } else {
        }
        %dma_start3A_142 = arith.constant 0 : i32
        %dma_start3A_143 = arith.constant 0 : i32
        %dma_start3A_144 = tpu.memref_slice %arg2[%dma_start3A_142, %dma_start3A_143] : memref<100000x128xf32, #tpu.memory_space<hbm>> -> memref<100000x128xf32, #tpu.memory_space<hbm>>
        tpu.enqueue_indirect_dma source(%dma_start3A_144 : memref<100000x128xf32, #tpu.memory_space<hbm>>) target(%arg12 : memref<200x128xf32, #tpu.memory_space<vmem>>) offsets(%arg8 : memref<200xi32, #tpu.memory_space<vmem>>) semaphore(%arg16 : memref<!tpu.dma_semaphore, #tpu.memory_space<semaphore_mem>>)
        %dma_wait3A_145 = arith.constant 0 : i32
        %dma_wait3A_146 = arith.constant 0 : i32
        %dma_wait3A_147 = tpu.memref_slice %arg2[%dma_wait3A_145, %dma_wait3A_146] : memref<100000x128xf32, #tpu.memory_space<hbm>> -> memref<100000x128xf32, #tpu.memory_space<hbm>>
        tpu.wait_indirect_dma semaphore(%arg15 : memref<!tpu.dma_semaphore, #tpu.memory_space<semaphore_mem>>) src(%dma_wait3A_147 : memref<100000x128xf32, #tpu.memory_space<hbm>>) dst(%arg11 : memref<200x128xf32, #tpu.memory_space<vmem>>)
        %add3A_148 = arith.constant 4 : i32
        %add3A_149 = arith.addi %add3A_125, %add3A_148 : i32
        %sub3A = arith.constant 1 : i32
        %sub3A_150 = arith.subi %add3A_149, %sub3A : i32
        %lt3A = arith.constant 128 : i32
        %lt3A_151 = arith.cmpi slt, %sub3A_150, %lt3A : i32
        %convert_element_type3A_152 = arith.extui %lt3A_151 : i1 to i32
        %cond3A_153 = arith.constant 0 : i32
        %cond3A_154 = arith.cmpi ne, %convert_element_type3A_152, %cond3A_153 : i32
        scf.if %cond3A_154 {
          %add3A_166 = arith.addi %mul3A_2, %add3A_125 : i32
          %add3A_167 = arith.constant 4 : i32
          %add3A_168 = arith.addi %add3A_166, %add3A_167 : i32
          %sub3A_169 = arith.constant 1 : i32
          %sub3A_170 = arith.subi %add3A_168, %sub3A_169 : i32
          %dma_start3A_171 = arith.constant 0 : i32
          %dma_start3A_172 = tpu.memref_slice %arg3[%sub3A_170, %dma_start3A_171] : memref<4096x200xi32, #tpu.memory_space<hbm>> -> memref<1x200xi32, #tpu.memory_space<hbm>>
          %dma_start3A_173 = tpu.memref_squeeze %dma_start3A_172 : memref<1x200xi32, #tpu.memory_space<hbm>> -> memref<200xi32, #tpu.memory_space<hbm>>
          %dma_start3A_174 = arith.constant 0 : i32
          %dma_start3A_175 = tpu.memref_slice %arg3[%sub3A_170, %dma_start3A_174] : memref<4096x200xi32, #tpu.memory_space<hbm>> -> memref<1x200xi32, #tpu.memory_space<hbm>>
          %dma_start3A_176 = tpu.memref_squeeze %dma_start3A_175 : memref<1x200xi32, #tpu.memory_space<hbm>> -> memref<200xi32, #tpu.memory_space<hbm>>
          tpu.enqueue_dma source(%dma_start3A_176 : memref<200xi32, #tpu.memory_space<hbm>>) target(%arg7 : memref<200xi32, #tpu.memory_space<vmem>>) target_semaphore(%arg23 : memref<!tpu.dma_semaphore, #tpu.memory_space<semaphore_mem>>)
        } else {
        }
        %add3A_155 = arith.addi %mul3A_2, %add3A_125 : i32
        %sub3A_156 = arith.constant 1 : i32
        %sub3A_157 = arith.subi %add3A_155, %sub3A_156 : i32
        %dma_start3A_158 = arith.constant 0 : i32
        %dma_start3A_159 = arith.constant 0 : i32
        %dma_start3A_160 = tpu.memref_slice %arg4[%sub3A_157, %dma_start3A_158, %dma_start3A_159] : memref<4096x200x128xf32, #tpu.memory_space<hbm>> -> memref<1x200x128xf32, #tpu.memory_space<hbm>>
        %dma_start3A_161 = tpu.memref_squeeze %dma_start3A_160 : memref<1x200x128xf32, #tpu.memory_space<hbm>> -> memref<200x128xf32, #tpu.memory_space<hbm>>
        %dma_start3A_162 = arith.constant 0 : i32
        %dma_start3A_163 = arith.constant 0 : i32
        %dma_start3A_164 = tpu.memref_slice %arg4[%sub3A_157, %dma_start3A_162, %dma_start3A_163] : memref<4096x200x128xf32, #tpu.memory_space<hbm>> -> memref<1x200x128xf32, #tpu.memory_space<hbm>>
        %dma_start3A_165 = tpu.memref_squeeze %dma_start3A_164 : memref<1x200x128xf32, #tpu.memory_space<hbm>> -> memref<200x128xf32, #tpu.memory_space<hbm>>
        tpu.enqueue_dma source(%arg11 : memref<200x128xf32, #tpu.memory_space<vmem>>) target(%dma_start3A_165 : memref<200x128xf32, #tpu.memory_space<hbm>>) target_semaphore(%arg19 : memref<!tpu.dma_semaphore, #tpu.memory_space<semaphore_mem>>)
      } else {
      }
    }
    %scan3A_47 = arith.constant 32 : i32
    %dma_wait3A_48 = arith.constant 0 : i32
    %dma_wait3A_49 = arith.constant 0 : i32
    %dma_wait3A_50 = tpu.memref_slice %arg2[%dma_wait3A_48, %dma_wait3A_49] : memref<100000x128xf32, #tpu.memory_space<hbm>> -> memref<100000x128xf32, #tpu.memory_space<hbm>>
    tpu.wait_indirect_dma semaphore(%arg16 : memref<!tpu.dma_semaphore, #tpu.memory_space<semaphore_mem>>) src(%dma_wait3A_50 : memref<100000x128xf32, #tpu.memory_space<hbm>>) dst(%arg12 : memref<200x128xf32, #tpu.memory_space<vmem>>)
    %add3A_51 = arith.constant 127 : i32
    %add3A_52 = arith.addi %mul3A_2, %add3A_51 : i32
    %dma_start3A_53 = arith.constant 0 : i32
    %dma_start3A_54 = arith.constant 0 : i32
    %dma_start3A_55 = tpu.memref_slice %arg4[%add3A_52, %dma_start3A_53, %dma_start3A_54] : memref<4096x200x128xf32, #tpu.memory_space<hbm>> -> memref<1x200x128xf32, #tpu.memory_space<hbm>>
    %dma_start3A_56 = tpu.memref_squeeze %dma_start3A_55 : memref<1x200x128xf32, #tpu.memory_space<hbm>> -> memref<200x128xf32, #tpu.memory_space<hbm>>
    %dma_start3A_57 = arith.constant 0 : i32
    %dma_start3A_58 = arith.constant 0 : i32
    %dma_start3A_59 = tpu.memref_slice %arg4[%add3A_52, %dma_start3A_57, %dma_start3A_58] : memref<4096x200x128xf32, #tpu.memory_space<hbm>> -> memref<1x200x128xf32, #tpu.memory_space<hbm>>
    %dma_start3A_60 = tpu.memref_squeeze %dma_start3A_59 : memref<1x200x128xf32, #tpu.memory_space<hbm>> -> memref<200x128xf32, #tpu.memory_space<hbm>>
    tpu.enqueue_dma source(%arg12 : memref<200x128xf32, #tpu.memory_space<vmem>>) target(%dma_start3A_60 : memref<200x128xf32, #tpu.memory_space<hbm>>) target_semaphore(%arg20 : memref<!tpu.dma_semaphore, #tpu.memory_space<semaphore_mem>>)
    %dma_wait3A_61 = arith.constant 0 : i32
    %dma_wait3A_62 = arith.constant 0 : i32
    %dma_wait3A_63 = arith.constant 0 : i32
    %dma_wait3A_64 = tpu.memref_slice %arg4[%dma_wait3A_61, %dma_wait3A_62, %dma_wait3A_63] : memref<4096x200x128xf32, #tpu.memory_space<hbm>> -> memref<1x200x128xf32, #tpu.memory_space<hbm>>
    %dma_wait3A_65 = tpu.memref_squeeze %dma_wait3A_64 : memref<1x200x128xf32, #tpu.memory_space<hbm>> -> memref<200x128xf32, #tpu.memory_space<hbm>>
    %dma_wait3A_66 = arith.constant 0 : i32
    %dma_wait3A_67 = arith.constant 0 : i32
    %dma_wait3A_68 = tpu.memref_slice %arg4[%dma_wait3A_61, %dma_wait3A_66, %dma_wait3A_67] : memref<4096x200x128xf32, #tpu.memory_space<hbm>> -> memref<1x200x128xf32, #tpu.memory_space<hbm>>
    %dma_wait3A_69 = tpu.memref_squeeze %dma_wait3A_68 : memref<1x200x128xf32, #tpu.memory_space<hbm>> -> memref<200x128xf32, #tpu.memory_space<hbm>>
    tpu.wait_dma2 semaphore(%arg17 : memref<!tpu.dma_semaphore, #tpu.memory_space<semaphore_mem>>) src(%arg9 : memref<200x128xf32, #tpu.memory_space<vmem>>) dst(%dma_wait3A_69 : memref<200x128xf32, #tpu.memory_space<hbm>>)
    %dma_wait3A_70 = arith.constant 0 : i32
    %dma_wait3A_71 = arith.constant 0 : i32
    %dma_wait3A_72 = arith.constant 0 : i32
    %dma_wait3A_73 = tpu.memref_slice %arg4[%dma_wait3A_70, %dma_wait3A_71, %dma_wait3A_72] : memref<4096x200x128xf32, #tpu.memory_space<hbm>> -> memref<1x200x128xf32, #tpu.memory_space<hbm>>
    %dma_wait3A_74 = tpu.memref_squeeze %dma_wait3A_73 : memref<1x200x128xf32, #tpu.memory_space<hbm>> -> memref<200x128xf32, #tpu.memory_space<hbm>>
    %dma_wait3A_75 = arith.constant 0 : i32
    %dma_wait3A_76 = arith.constant 0 : i32
    %dma_wait3A_77 = tpu.memref_slice %arg4[%dma_wait3A_70, %dma_wait3A_75, %dma_wait3A_76] : memref<4096x200x128xf32, #tpu.memory_space<hbm>> -> memref<1x200x128xf32, #tpu.memory_space<hbm>>
    %dma_wait3A_78 = tpu.memref_squeeze %dma_wait3A_77 : memref<1x200x128xf32, #tpu.memory_space<hbm>> -> memref<200x128xf32, #tpu.memory_space<hbm>>
    tpu.wait_dma2 semaphore(%arg18 : memref<!tpu.dma_semaphore, #tpu.memory_space<semaphore_mem>>) src(%arg10 : memref<200x128xf32, #tpu.memory_space<vmem>>) dst(%dma_wait3A_78 : memref<200x128xf32, #tpu.memory_space<hbm>>)
    %dma_wait3A_79 = arith.constant 0 : i32
    %dma_wait3A_80 = arith.constant 0 : i32
    %dma_wait3A_81 = arith.constant 0 : i32
    %dma_wait3A_82 = tpu.memref_slice %arg4[%dma_wait3A_79, %dma_wait3A_80, %dma_wait3A_81] : memref<4096x200x128xf32, #tpu.memory_space<hbm>> -> memref<1x200x128xf32, #tpu.memory_space<hbm>>
    %dma_wait3A_83 = tpu.memref_squeeze %dma_wait3A_82 : memref<1x200x128xf32, #tpu.memory_space<hbm>> -> memref<200x128xf32, #tpu.memory_space<hbm>>
    %dma_wait3A_84 = arith.constant 0 : i32
    %dma_wait3A_85 = arith.constant 0 : i32
    %dma_wait3A_86 = tpu.memref_slice %arg4[%dma_wait3A_79, %dma_wait3A_84, %dma_wait3A_85] : memref<4096x200x128xf32, #tpu.memory_space<hbm>> -> memref<1x200x128xf32, #tpu.memory_space<hbm>>
    %dma_wait3A_87 = tpu.memref_squeeze %dma_wait3A_86 : memref<1x200x128xf32, #tpu.memory_space<hbm>> -> memref<200x128xf32, #tpu.memory_space<hbm>>
    tpu.wait_dma2 semaphore(%arg19 : memref<!tpu.dma_semaphore, #tpu.memory_space<semaphore_mem>>) src(%arg11 : memref<200x128xf32, #tpu.memory_space<vmem>>) dst(%dma_wait3A_87 : memref<200x128xf32, #tpu.memory_space<hbm>>)
    %dma_wait3A_88 = arith.constant 0 : i32
    %dma_wait3A_89 = arith.constant 0 : i32
    %dma_wait3A_90 = arith.constant 0 : i32
    %dma_wait3A_91 = tpu.memref_slice %arg4[%dma_wait3A_88, %dma_wait3A_89, %dma_wait3A_90] : memref<4096x200x128xf32, #tpu.memory_space<hbm>> -> memref<1x200x128xf32, #tpu.memory_space<hbm>>
    %dma_wait3A_92 = tpu.memref_squeeze %dma_wait3A_91 : memref<1x200x128xf32, #tpu.memory_space<hbm>> -> memref<200x128xf32, #tpu.memory_space<hbm>>
    %dma_wait3A_93 = arith.constant 0 : i32
    %dma_wait3A_94 = arith.constant 0 : i32
    %dma_wait3A_95 = tpu.memref_slice %arg4[%dma_wait3A_88, %dma_wait3A_93, %dma_wait3A_94] : memref<4096x200x128xf32, #tpu.memory_space<hbm>> -> memref<1x200x128xf32, #tpu.memory_space<hbm>>
    %dma_wait3A_96 = tpu.memref_squeeze %dma_wait3A_95 : memref<1x200x128xf32, #tpu.memory_space<hbm>> -> memref<200x128xf32, #tpu.memory_space<hbm>>
    tpu.wait_dma2 semaphore(%arg20 : memref<!tpu.dma_semaphore, #tpu.memory_space<semaphore_mem>>) src(%arg12 : memref<200x128xf32, #tpu.memory_space<vmem>>) dst(%dma_wait3A_96 : memref<200x128xf32, #tpu.memory_space<hbm>>)
    return
  }
}

</mosaic_0001>

<sc_bundles>
// kernel: kernel.3.cloned.1.call-start
scs
__scs_entry_jumppad:
0x0: {  	(pc) =	sbr.rel $0x88, $3  }
0x1: {  	(tag) =	ssettag $0x0;
	lr =	simm.s32 $0x1  }
0x2: {  	[smem:$0x3F9F] =	sst lr;
	_ =	strace $0xD0000000  }
0x3: {  	_ = 	snop  }
0x4: {  	_ = 	snop  }
0x5: {  	_ = 	snop  }
0x6: {  	_ = 	snop  }
0x7: {  	_ = 	snop  }
__scs_overlays_trampoline_lowered:
0x8: {  	[smem:$0x3FAE] =	sst s0  }
0x9: {  	[smem:$0x3FAF] =	sst s1  }
0xa: {  	[smem:$0x3FB0] =	sst s2  }
0xb: {  	[smem:$0x3FB1] =	sst s3  }
0xc: {  	[smem:$0x3FB2] =	sst s4  }
0xd: {  	[smem:$0x3FB3] =	sst s5  }
0xe: {  	[smem:$0x3FB4] =	sst s6  }
0xf: {  	[smem:$0x3FB5] =	sst s7  }
0x10: {  	[smem:$0x3FB6] =	sst s8  }
0x11: {  	[smem:$0x3FB7] =	sst s9;
	s0 =	simm.s32 @!p0 $0x0  }
0x12: {  	s1 =	sld [smem:$0x3F9D];
	s0 =	simm.s32 @p0 $0x1  }
0x13: {  	[smem:$0x3FB8] =	sst s0;
	s0 =	simm.s32 @!p1 $0x0  }
0x14: {  	s2 =	sld [smem:$0x3F9C];
	s0 =	simm.s32 @p1 $0x1  }
0x15: {  	[smem:$0x3FB9] =	sst s0;
	s0 =	simm.s32 @!p2 $0x0  }
0x16: {  	s3 =	sld [smem:$0x3FDB];
	s0 =	simm.s32 @p2 $0x1  }
0x17: {  	s4 =	simm.s32 $0x1BF5;
	[smem:$0x3FBB] =	sst s0  }
0x18: {  	s0 =	sld [smem:$0x3F9E];
	_ =	swait.ge [sflag:s4], $0x0  }
0x19: {  	s7 =	sld [smem:$0x3F9F]  }
0x1a: {  	s8 =	sadd.s32 $0xFFFFE003, lr  }
0x1b: {  	s9 =	sadd.s32 $0xFFFFFEF7, lr;
	s5 =	simm.s32 $0xFFFFFFFF;
	p2 =	slt.u32 s8, $0xFFFFF086  }
0x1c: {  	p1 =	slt.u32 s9, $0xF7A;
	s5 =	simm.s32 @!p2 $0x0  }
0x1d: {  	s5 =	simm.s32 @p1 $0x1;
	p0 =	seq.s32 s7, s2  }
0x1e: {  	s7 =	smul.u32 @!p0 $0xF7A, s2;
	p2 =	seq.s32 @!p0 s5, $0x0  }
0x1f: {  	s9 =	smul.u32 $0xF7A, s1;
	s8 =	simm.s32 @!p0 $0x1BF5;
	p2 =	por !p2, p0  }
0x20: {  	[sflag:s8] =	ssyncset.s32 @!p0 $0xFFFFF086;
	s6 =	sadd.s32 @!p0 s3, s7;
	s7 =	simm.s32 @!p0 $0x108  }
0x21: {  	s3 =	sadd.s32 s3, s9;
	s6 =	sadd.s32 @!p0 $0x88, s6;
	s7 =	simm.s32 @p2 $0x1082  }
0x22: {  	[simem:s7], [sflag:s8] =	dma.local @!p0 [hbm:s6], $0xF7A  }
0x23: {  	s9 =	sor.u32 $0xD0000000, s2;
	s6 =	simm.s32 $0x108;
	_ =	swait.ge @!p0 [sflag:s8], $0x0  }
0x24: {  	s3 =	sadd.s32 $0x88, s3;
	s6 =	simm.s32 @!p1 $0x1082;
	[sflag:s4] =	ssyncset.s32 $0xFFFFF086  }
0x25: {  	[simem:s6], [sflag:s4] =	dma.local [hbm:s3], $0xF7A  }
0x26: {  	[smem:$0x3F9F] =	sst s1;
	(tag) =	ssettag s2;
	_ =	strace s9  }
0x27: {  	s1 =	sld [smem:$0x3FAF]  }
0x28: {  	s2 =	sld [smem:$0x3FB0]  }
0x29: {  	s4 =	sld [smem:$0x3FB2]  }
0x2a: {  	p0 =	seq.s32 s5, $0x0;
	s5 =	sld [smem:$0x3FB3]  }
0x2b: {  	s6 =	sld [smem:$0x3FB4]  }
0x2c: {  	s7 =	sld [smem:$0x3FB5]  }
0x2d: {  	s3 =	simm.s32 $0x108;
	s8 =	sld [smem:$0x3FB6]  }
0x2e: {  	s3 =	simm.s32 @!p0 $0x1082;
	s9 =	sld [smem:$0x3FB7]  }
0x2f: {  	lr =	sadd.s32 s0, s3;
	s0 =	sld [smem:$0x3FAE]  }
0x30: {  	s3 =	sld [smem:$0x3FB1]  }
0x31: {  	[smem:$0x3FBA] =	sst s10  }
0x32: {  	s10 =	sld [smem:$0x3FB8];
	_ =	sdelay $0x3  }
0x33: {  	p0 =	seq.s32 s10, $0x1;
	s10 =	sld [smem:$0x3FBA];
	_ =	sdelay $0x3  }
0x34: {  	[smem:$0x3FBA] =	sst s10  }
0x35: {  	s10 =	sld [smem:$0x3FB9];
	_ =	sdelay $0x3  }
0x36: {  	p1 =	seq.s32 s10, $0x1;
	s10 =	sld [smem:$0x3FBA];
	_ =	sdelay $0x3  }
0x37: {  	[smem:$0x3FBA] =	sst s10  }
0x38: {  	s10 =	sld [smem:$0x3FBB]  }
0x39: {  	_ = 	snop;
	(pc) =	sbr.ind lr, $3  }
0x3a: {  	_ = 	snop  }
0x3b: {  	_ = 	snop  }
0x3c: {  	p2 =	seq.s32 s10, $0x1;
	s10 =	sld [smem:$0x3FBA]  }
0x3d: {  	_ =	shalt  }
0x3e: {  	_ =	shalt  }
0x3f: {  	_ =	shalt  }
0x40: {  	_ =	shalt  }
0x41: {  	_ =	shalt  }
0x42: {  	_ =	shalt  }
0x43: {  	_ =	shalt  }
0x44: {  	_ =	shalt  }
0x45: {  	_ =	shalt  }
0x46: {  	_ =	shalt  }
0x47: {  	_ =	shalt  }
0x48: {  	_ =	shalt  }
0x49: {  	_ =	shalt  }
0x4a: {  	_ =	shalt  }
0x4b: {  	_ =	shalt  }
0x4c: {  	_ =	shalt  }
0x4d: {  	_ =	shalt  }
0x4e: {  	_ =	shalt  }
0x4f: {  	_ =	shalt  }
0x50: {  	_ =	shalt  }
0x51: {  	_ =	shalt  }
0x52: {  	_ =	shalt  }
0x53: {  	_ =	shalt  }
0x54: {  	_ =	shalt  }
0x55: {  	_ =	shalt  }
0x56: {  	_ =	shalt  }
0x57: {  	_ =	shalt  }
0x58: {  	_ =	shalt  }
0x59: {  	_ =	shalt  }
0x5a: {  	_ =	shalt  }
0x5b: {  	_ =	shalt  }
0x5c: {  	_ =	shalt  }
0x5d: {  	_ =	shalt  }
0x5e: {  	_ =	shalt  }
0x5f: {  	_ =	shalt  }
0x60: {  	_ =	shalt  }
0x61: {  	_ =	shalt  }
0x62: {  	_ =	shalt  }
0x63: {  	_ =	shalt  }
0x64: {  	_ =	shalt  }
0x65: {  	_ =	shalt  }
0x66: {  	_ =	shalt  }
0x67: {  	_ =	shalt  }
0x68: {  	_ =	shalt  }
0x69: {  	_ =	shalt  }
0x6a: {  	_ =	shalt  }
0x6b: {  	_ =	shalt  }
0x6c: {  	_ =	shalt  }
0x6d: {  	_ =	shalt  }
0x6e: {  	_ =	shalt  }
0x6f: {  	_ =	shalt  }
0x70: {  	_ =	shalt  }
0x71: {  	_ =	shalt  }
0x72: {  	_ =	shalt  }
0x73: {  	_ =	shalt  }
0x74: {  	_ =	shalt  }
0x75: {  	_ =	shalt  }
0x76: {  	_ =	shalt  }
0x77: {  	_ =	shalt  }
0x78: {  	_ =	shalt  }
0x79: {  	_ =	shalt  }
0x7a: {  	_ =	shalt  }
0x7b: {  	_ =	shalt  }
0x7c: {  	_ =	shalt  }
0x7d: {  	_ =	shalt  }
0x7e: {  	_ =	shalt  }
0x7f: {  	_ =	shalt  }
0x80: {  	_ =	shalt  }
0x81: {  	_ =	shalt  }
0x82: {  	_ =	shalt  }
0x83: {  	_ =	shalt  }
0x84: {  	_ =	shalt  }
0x85: {  	_ =	shalt  }
0x86: {  	_ =	shalt  }
0x87: {  	_ =	shalt  }
.Lfunc_end0:
.L_simem_size_0:
called_computation_lowered:
.L_overlay_start_0:
0x88: {  	s2 =	sld [smem:$0x3FD9]  }
0x89: {  	s3 =	sld [smem:$0x3FFE];
	_ =	sdelay $0x1  }
0x8a: {  	s1 =	srdreg.scid  }
0x8b: {  	s0 =	sand.u32 $0x1, s1  }
0x8c: {  	s17 =	sshll.u32 s0, $0xA;
	s2 =	sadd.s32 s3, s2  }
0x8d: {  	s2 =	sadd.s32 s2, s17  }
0x8e: {  	[smem:$0x3FC6] =	sst s2  }
0x8f: {  	_ = 	snop  }
0x90: {  	s2 =	sld [smem:$0x3FC8]  }
0x91: {  	s18 =	sld [smem:$0x3FD0];
	(tm) =	ssettm $0x1  }
0x92: {  	s4 =	sld [smem:$0x3FFB];
	_ =	sdelay $0x3  }
0x93: {  	_ =	strace s4  }
0x94: {  	s4 =	sld [smem:$0x3FFC];
	_ =	sdelay $0x3  }
0x95: {  	_ =	strace s4  }
0x96: {  	s4 =	sld [smem:$0x3FFD];
	_ =	sdelay $0x3  }
0x97: {  	_ =	strace s4  }
0x98: {  	_ =	strace $0x8FFFFFFF  }
0x99: {  	s19 =	sld [smem:$0x3FDB];
	_ =	sdelay $0x1  }
0x9a: {  	s5 =	simm.s32 $_scs_section_size  }
0x9b: {  	s6 =	simm.s32 $_size__tile_overlayer_lowered;
	s7 =	simm.s32 $_tile_overlayer_lowered  }
0x9c: {  	s22 =	simm.s32 $0x1BFF;
	s21 =	sshll.u32 s7, $0x1;
	s4 =	sadd.s32 s5, s19  }
0x9d: {  	s8 =	simm.s32 $0x0;
	s20 =	sshll.u32 s6, $0x1;
	s6 =	sadd.s32 s21, s4  }
0x9e: {  	[timem:s8], [sflag:s22] =	dma.local [hbm:s6], s20  }
0x9f: {  	_ =	swait.ge [sflag:s22], s20  }
0xa0: {  	s5 =	ssub.s32 $0x0, s20;
	[sflag:s22] =	ssyncset.done $0x0  }
0xa1: {  	[sflag:s22] =	ssyncadd.s32 s5;
	_ =	sdelay $0x1  }
0xa2: {  	s23 =	simm.s32 $0x1B8B  }
0xa3: {  	_ =	swait.ge [sflag:s23], $0x1  }
0xa4: {  	[sflag:s23] =	ssyncset.done $0x0  }
0xa5: {  	s25 =	simm.s32 $0x1B8E;
	s24 =	sld [smem:$0x3FFE];
	[sflag:s23] =	ssyncadd.s32 $0xFFFFFFFF  }
0xa6: {  	s26 =	simm.s32 $execute0_lowered;
	[smem:$0x3FD2] =	sst s25  }
0xa7: {  	s6 =	sshll.u32 s26, $0x1;
	_ =	strace $0x80000046;
	[dreg:$0x1] =	wrdreg $0xFFFFFFFF  }
0xa8: {  	s28 =	simm.s32 $_size_execute0_lowered;
	s4 =	sadd.s32 s4, s6;
	[dreg:$0x0] =	wrdreg $0x0  }
0xa9: {  	s6 =	sshll.u32 s28, $0x1;
	[dreg:$0x2] =	wrdreg s4  }
0xaa: {  	[dreg:$0x3] =	wrdreg s6  }
0xab: {  	[dreg:$0x4] =	wrdreg $0xC0  }
0xac: {  	_ =	task [dreg:s8], $0x5FFFF  }
0xad: {  	[dreg:$0x1] =	wrdreg $0xFFFFFFFF  }
0xae: {  	[dreg:$0x0] =	wrdreg $0x60  }
0xaf: {  	[dreg:$0x2] =	wrdreg s2  }
0xb0: {  	[dreg:$0x3] =	wrdreg s24  }
0xb1: {  	[dreg:$0x4] =	wrdreg s18  }
0xb2: {  	[dreg:$0x5] =	wrdreg $0x9  }
0xb3: {  	_ =	task.clear_ibuf [dreg:s8], $0x6FFFF;
	_ =	strace $0x90000046  }
0xb4: {  	s29 =	simm.s32 $0x9;
	_ =	strace $0x80000048  }
0xb5: {  	_ =	swait.ge [sflag:s29], $0x1  }
0xb6: {  	[sflag:s29] =	ssyncadd.s32 $0xFFFFFFFF  }
0xb7: {  	_ =	strace $0x90000048  }
0xb8: {  	_ =	sfence  }
0xb9: {  	s30 =	sld [smem:$0x0];
	_ =	sdelay $0x2  }
0xba: {  	s31 =	sshll.u32 s1, $0xD;
	s1 =	sshrl.u32 s1, $0x2  }
0xbb: {  	s3 =	sand.u32 $0x4000, s31;
	s1 =	sadd.s32 s1, s30  }
0xbc: {  	s0 =	sor.u32 s3, s0;
	s1 =	sshll.u32 s1, $0x11  }
0xbd: {  	s0 =	sor.u32 s1, s0  }
0xbe: {  	s0 =	sadd.s32 $0x8F2B, s0  }
0xbf: {  	[sflag:s0] =	ssyncadd.remote.s32 $0x1  }
0xc0: {  	_ =	sfence.sel $0xFFFF  }
0xc1: {  	[dreg:$0x0] =	wrdreg $0xFFFFFFFF;
	(pc) =	sbr.abs _section_cstart, $3  }
0xc2: {  	[dreg:$0x1] =	wrdreg $0xFFFFFFFF  }
0xc3: {  	_ =	task.clear_ibuf [dreg:s8], $0x2FFFF;
	_ =	strace $0x9FFFFFFF  }
0xc4: {  	(tm) =	ssettm $0x7FFFFFFF  }
0xc5: {  	_ =	shalt  }
tec
execute0_lowered:
.L_overlay_start_1:
0x0: {  	(tag) =	ssettag $0x1  }
0x1: {  	s1 =	rddreg [dreg:$0x0]  }
0x2: {  	s0 =	rddreg [dreg:$0x1]  }
0x3: {  	s25 =	rddreg [dreg:$0x2]  }
0x4: {  	s2 =	srdreg.scid;
	s3 =	simm.s32 $0x0;
	s8 =	stileid.u32  }
0x5: {  	s28 =	simm.s32 $0xB;
	s4 =	simm.s32 $0xCC00;
	s30 =	simm.s32 $0x2  }
0x6: {  	s31 =	simm.s32 $0xC;
	s29 =	simm.s32 $0x6800;
	s2 =	sand.u32 $0x1, s2  }
0x7: {  	[smem:$0x7FF] =	sst s3;
	s13 =	sshll.u32 s8, $0x8;
	s5 =	sadd.s32 $0x400, s0  }
0x8: {  	s17 =	smul.u32 $0x640000, s8;
	s20 =	sshll.u32 s8, $0xD;
	s23 =	sshll.u32 s8, $0xC  }
0x9: {  	s6 =	sshll.u32 s2, $0x7;
	s14 =	ssub.s32 $0x2, s2;
	_ =	strace $0x80000047  }
0xa: {  	s18 =	smul.u32 $0x320000, s2;
	s21 =	sshll.u32 s2, $0xC;
	s2 =	sshll.u32 s2, $0xB  }
0xb: {  	s3 =	sor.u32 s6, s13;
	s15 =	sshrl.u32 s14, $0x1;
	s2 =	sor.u32 s2, s23  }
0xc: {  	s6 =	simm.s32 $0x0;
	s23 =	simm.s32 $0x0;
	s7 =	sshll.u32 s3, $0x5  }
0xd: {  	s0 =	ssub.s32 s14, s15;
	[dreg:$0x4] =	wrdreg s2;
	s9 =	sadd.s32 s5, s7  }
0xe: {  	s3 =	smul.u32 $0x6400, s3;
	s0 =	smax.u32 s0, $0x1;
	[dreg:$0x5] =	wrdreg s9  }
0xf: {  	s19 =	sadd.s32 s18, s17;
	s16 =	sadd.s32 $0x10, s9;
	[dreg:$0xa] =	wrdreg s0  }
0x10: {  	s24 =	sor.u32 $0x6400, s19;
	s7 =	sadd.s32 $0x20, s9;
	[dreg:$0x6] =	wrdreg s16  }
0x11: {  	s3 =	sshrl.u32 s3, $0x3;
	s9 =	sadd.s32 $0x30, s9;
	[dreg:$0x7] =	wrdreg s7  }
0x12: {  	s26 =	sshrl.u32 s24, $0x3;
	[dreg:$0x8] =	wrdreg s9;
	s7 =	sadd.s32 $0xFFFF9C00, s19  }
0x13: {  	s3 =	sadd.s32 s25, s3;
	s2 =	sadd.s32 s26, s25;
	[dreg:$0xb] =	wrdreg s7  }
0x14: {  	s22 =	sor.u32 $0xC800, s19;
	s3 =	sadd.s32 $0x63380, s3;
	[dreg:$0xe] =	wrdreg s2  }
0x15: {  	s0 =	sshrl.u32 s19, $0x3;
	[dreg:$0x9] =	wrdreg s3;
	s3 =	sor.u32 s21, s20  }
0x16: {  	s0 =	sadd.s32 s0, s25;
	[dreg:$0xc] =	wrdreg s3;
	s3 =	sshrl.u32 s22, $0x3  }
0x17: {  	s24 =	simm.s32 $0xC8;
	[dreg:$0xf] =	wrdreg s0;
	s3 =	sadd.s32 s3, s25  }
0x18: {  	s26 =	simm.s32 $0x1;
	s2 =	simm.s32 $0x3;
	[dreg:$0xd] =	wrdreg s3  }
.LBB2_1:
0x19: {  	[dreg:$0x10] =	wrdreg s6  }
0x1a: {  	s0 =	rddreg [dreg:$0x5]  }
0x1b: {  	s3 =	simm.s32 $0x80;
	s11 =	simm.s32 $0x400;
	s19 =	simm.s32 $0x0  }
0x1c: {  	[tilespmem:s19], [sflag:$0x9] =	stream.strided.gather [hbm4b:s0+s3], $0x100, s11, s3, $0x38;
	[tilespmem:$0x19400] =	vst v63  }
0x1d: {  	s9 =	rddreg [dreg:$0x6];
	s12 =	simm.s32 $0x100  }
0x1e: {  	[tilespmem:s12], [sflag:$0xA] =	stream.strided.gather [hbm4b:s9+s3], $0x100, s11, s3, $0x38;
	[tilespmem:$0x19400] =	vst v63  }
0x1f: {  	s10 =	rddreg [dreg:$0x7];
	s13 =	simm.s32 $0x200  }
0x20: {  	[tilespmem:s13], [sflag:$0xB] =	stream.strided.gather [hbm4b:s10+s3], $0x100, s11, s3, $0x38;
	[tilespmem:$0x19400] =	vst v63  }
0x21: {  	s14 =	rddreg [dreg:$0x8];
	s17 =	simm.s32 $0x300;
	s15 =	simm.s32 $0x9  }
0x22: {  	[tilespmem:s17], [sflag:$0xC] =	stream.strided.gather [hbm4b:s14+s3], $0x100, s11, s3, $0x38;
	[tilespmem:$0x19400] =	vst v63  }
0x23: {  	p1 =	por $0x1, $0x1;
	_ =	swait.ge [sflag:s15], $0x100  }
0x24: {  	p0 =	por p1, p1;
	[sflag:s15] =	ssyncset.done $0x0  }
0x25: {  	s20 =	simm.s32 $0xC8;
	s3 =	simm.s32 @!p0 $0x9;
	[sflag:s15] =	ssyncadd.s32 $0xFFFFFF00  }
0x26: {  	[tilespmem:s11], [sflag:$0x1] =	stream.indirect.gather [hbm4b:s1+s20], $0x80, s19, s20, $0xb8;
	[tilespmem:$0x19400] =	vst v63  }
0x27: {  	_ =	swait.ge @!p0 [sflag:s3], $0x100  }
0x28: {  	s6 =	sand.u32 @!p1 $0x40, s19;
	[sflag:s3] =	ssyncset.done @!p0 $0x0  }
0x29: {  	s6 =	sadd.s32 @!p1 s6, s5;
	[sflag:s3] =	ssyncadd.s32 @!p0 $0xFFFFFF00;
	s3 =	simm.s32 @!p0 $0x5  }
0x2a: {  	s8 =	simm.s32 @!p0 $0x400;
	s15 =	rddreg [dreg:$0xc];
	_ =	swait.ge @!p0 [sflag:s3], $0x6400  }
0x2b: {  	s9 =	simm.s32 @!p0 $0x4;
	s10 =	simm.s32 @!p0 $0x0;
	[sflag:s3] =	ssyncset.done @!p0 $0x0  }
0x2c: {  	s7 =	sand.u32 @!p1 $0x1FF00, s15;
	[sflag:s3] =	ssyncadd.s32 @!p0 $0xFFFF9C00;
	s3 =	simm.s32 @!p0 $0xC8  }
0x2d: {  	[tilespmem:s8], [sflag:$0x1] =	stream.indirect.gather @!p0 [hbm4b:s1+s3], $0x80, s10, s3, $0xb8;
	[tilespmem:$0x19400] =	vst v63  }
0x2e: {  	s3 =	sadd.s32 @!p1 s7, s6;
	s7 =	simm.s32 @!p0 $0x80;
	_ =	swait.ge @!p0 [sflag:s9], $0x6400  }
0x2f: {  	s3 =	sadd.s32 @!p1 $0x30, s3;
	s0 =	rddreg [dreg:$0xb];
	[sflag:s9] =	ssyncset.done @!p0 $0x0  }
0x30: {  	s6 =	sshrl.u32 @!p1 s0, $0x3;
	[sflag:s9] =	ssyncadd.s32 @!p0 $0xFFFF9C00;
	s9 =	simm.s32 @!p0 $0x300  }
0x31: {  	[tilespmem:s9], [sflag:$0xC] =	stream.strided.gather @!p0 [hbm4b:s3+s7], $0x100, s8, s7, $0x38;
	[tilespmem:$0x19400] =	vst v63  }
0x32: {  	s16 =	simm.s32 $0xA;
	s3 =	sadd.s32 @!p1 s25, s6;
	s6 =	simm.s32 @!p0 $0x13000  }
0x33: {  	[hbm4b:s3+s10] =	stream.linear.scatter @!p0 [tilespmem:s6], [sflag:$0x8], $0x6400, $0x38;
	[tilespmem:$0x19400] =	vst v63  }
0x34: {  	_ =	swait.ge [sflag:s16], $0x100  }
0x35: {  	[sflag:s16] =	ssyncset.done $0x0  }
0x36: {  	s3 =	simm.s32 @!p0 $0x6;
	[sflag:s16] =	ssyncadd.s32 $0xFFFFFF00  }
0x37: {  	_ =	swait.ge @!p0 [sflag:s3], $0x6400  }
0x38: {  	[sflag:s3] =	ssyncset.done @!p0 $0x0  }
0x39: {  	s14 =	simm.s32 $0x6800;
	[sflag:s3] =	ssyncadd.s32 @!p0 $0xFFFF9C00  }
0x3a: {  	[tilespmem:s14], [sflag:$0x2] =	stream.indirect.gather [hbm4b:s1+s20], $0x80, s12, s20, $0xb8;
	[tilespmem:$0x19400] =	vst v63  }
0x3b: {  	_ =	swait.ge [sflag:s26], $0x6400  }
0x3c: {  	p1 =	por $0x0, $0x0;
	s3 =	rddreg [dreg:$0x4]  }
0x3d: {  	s3 =	sadd.s32 @!p1 $0x0, s3  }
0x3e: {  	s8 =	simm.s32 @!p1 $0x80;
	s7 =	sxor.u32 @!p1 $0xFFFFFFFF, s3  }
0x3f: {  	s9 =	simm.s32 @!p1 $0x400;
	s6 =	sadd.s32 @!p1 $0x80, s15;
	s7 =	sand.u32 @!p1 $0x40, s7  }
0x40: {  	s6 =	sand.u32 @!p1 $0xFFFFF00, s6;
	[sflag:s26] =	ssyncset.done $0x0;
	s7 =	sadd.s32 @!p1 s5, s7  }
0x41: {  	s10 =	simm.s32 @!p1 $0x0;
	[sflag:s26] =	ssyncadd.s32 $0xFFFF9C00;
	s6 =	sadd.s32 @!p1 s6, s7  }
0x42: {  	[tilespmem:s10], [sflag:$0x9] =	stream.strided.gather @!p1 [hbm4b:s6+s8], $0x100, s9, s8, $0x38;
	[tilespmem:$0x19400] =	vst v63  }
0x43: {  	s16 =	rddreg [dreg:$0xf]  }
0x44: {  	[hbm4b:s16+s19] =	stream.linear.scatter [tilespmem:s11], [sflag:$0x5], $0x6400, $0x38;
	[tilespmem:$0x19400] =	vst v63  }
0x45: {  	_ =	swait.ge [sflag:s28], $0x100  }
0x46: {  	[sflag:s28] =	ssyncset.done $0x0  }
0x47: {  	s6 =	simm.s32 @!p0 $0x7;
	[sflag:s28] =	ssyncadd.s32 $0xFFFFFF00  }
0x48: {  	_ =	swait.ge @!p0 [sflag:s6], $0x6400  }
0x49: {  	p2 =	por $0x0, $0x0;
	[sflag:s6] =	ssyncset.done @!p0 $0x0  }
0x4a: {  	s21 =	simm.s32 $0x13000;
	s7 =	sadd.s32 @!p1 $0x50, s3;
	[sflag:s6] =	ssyncadd.s32 @!p0 $0xFFFF9C00  }
0x4b: {  	[tilespmem:s4], [sflag:$0x3] =	stream.indirect.gather [hbm4b:s1+s20], $0x80, s13, s20, $0xb8;
	[tilespmem:$0x19400] =	vst v63  }
0x4c: {  	s6 =	sand.u32 @!p1 $0x50, s7;
	s7 =	sadd.s32 @!p1 $0xA0, s15;
	_ =	swait.ge [sflag:s30], $0x6400  }
0x4d: {  	s6 =	sadd.s32 @!p1 s5, s6;
	s7 =	sand.u32 @!p1 $0xFFFFF00, s7;
	[sflag:s30] =	ssyncset.done $0x0  }
0x4e: {  	s6 =	sadd.s32 @!p1 s7, s6;
	s7 =	simm.s32 @!p1 $0x100;
	[sflag:s30] =	ssyncadd.s32 $0xFFFF9C00  }
0x4f: {  	[tilespmem:s7], [sflag:$0xA] =	stream.strided.gather @!p1 [hbm4b:s6+s8], $0x100, s9, s8, $0x38;
	[tilespmem:$0x19400] =	vst v63  }
0x50: {  	s22 =	sadd.s32 $0x80, s15;
	s3 =	sadd.s32 @!p1 $0x60, s3;
	s18 =	rddreg [dreg:$0xe]  }
0x51: {  	[hbm4b:s18+s19] =	stream.linear.scatter [tilespmem:s14], [sflag:$0x6], $0x6400, $0x38;
	[tilespmem:$0x19400] =	vst v63  }
0x52: {  	s12 =	simm.s32 $0x40;
	s3 =	sand.u32 @!p1 $0x60, s3;
	_ =	swait.ge [sflag:s31], $0x100  }
0x53: {  	s10 =	sand.u32 @!p2 $0x1FF00, s22;
	s3 =	sadd.s32 @!p1 s5, s3;
	[sflag:s31] =	ssyncset.done $0x0  }
0x54: {  	s13 =	simm.s32 @!p0 $0x8;
	s7 =	sand.u32 @!p2 $0x40, s12;
	[sflag:s31] =	ssyncadd.s32 $0xFFFFFF00  }
0x55: {  	s6 =	sadd.s32 $0x19000, s0;
	s7 =	sadd.s32 @!p2 s7, s5;
	_ =	swait.ge @!p0 [sflag:s13], $0x6400  }
0x56: {  	s11 =	sshrl.u32 @!p2 s6, $0x3;
	s14 =	simm.s32 $0x80;
	[sflag:s13] =	ssyncset.done @!p0 $0x0  }
0x57: {  	s7 =	sadd.s32 @!p2 s10, s7;
	s11 =	sadd.s32 @!p2 s25, s11;
	[sflag:s13] =	ssyncadd.s32 @!p0 $0xFFFF9C00  }
0x58: {  	[tilespmem:s21], [sflag:$0x4] =	stream.indirect.gather [hbm4b:s1+s20], $0x80, s17, s20, $0xb8;
	[tilespmem:$0x19400] =	vst v63  }
0x59: {  	s10 =	sadd.s32 @!p2 $0x30, s7;
	s7 =	sadd.s32 @!p1 $0xC0, s15;
	_ =	swait.ge [sflag:s2], $0x6400  }
0x5a: {  	s15 =	sadd.s32 $0x80, s22;
	s7 =	sand.u32 @!p1 $0xFFFFF00, s7;
	[sflag:s2] =	ssyncset.done $0x0  }
0x5b: {  	s3 =	sadd.s32 @!p1 s7, s3;
	s7 =	simm.s32 @!p1 $0x200;
	[sflag:s2] =	ssyncadd.s32 $0xFFFF9C00  }
0x5c: {  	[tilespmem:s7], [sflag:$0xB] =	stream.strided.gather @!p1 [hbm4b:s3+s8], $0x100, s9, s8, $0x38;
	[tilespmem:$0x19400] =	vst v63  }
0x5d: {  	p0 =	por p2, p2;
	s9 =	sadd.s32 $0x3200, s16;
	s16 =	rddreg [dreg:$0xd]  }
0x5e: {  	s17 =	sadd.s32 $0x19000, s6;
	s8 =	sadd.s32 $0x3200, s18;
	s7 =	sadd.s32 $0x3200, s16  }
.LBB2_2:
0x5f: {  	s3 =	simm.s32 @!p0 $0x9;
	s4 =	simm.s32 $0xCC00  }
0x60: {  	[hbm4b:s16+s23] =	stream.linear.scatter [tilespmem:s4], [sflag:$0x7], $0x6400, $0x38;
	[tilespmem:$0x19400] =	vst v63  }
0x61: {  	_ =	swait.ge @!p0 [sflag:s3], $0x100  }
0x62: {  	[sflag:s3] =	ssyncset.done @!p0 $0x0  }
0x63: {  	[sflag:s3] =	ssyncadd.s32 @!p0 $0xFFFFFF00;
	s3 =	simm.s32 @!p0 $0x5  }
0x64: {  	_ =	swait.ge @!p0 [sflag:s3], $0x6400  }
0x65: {  	s18 =	simm.s32 @!p0 $0x400;
	s20 =	simm.s32 @!p0 $0x4;
	[sflag:s3] =	ssyncset.done @!p0 $0x0  }
0x66: {  	s21 =	simm.s32 @!p0 $0x0;
	[sflag:s3] =	ssyncadd.s32 @!p0 $0xFFFF9C00;
	s3 =	simm.s32 @!p0 $0xC8  }
0x67: {  	[tilespmem:s18], [sflag:$0x1] =	stream.indirect.gather @!p0 [hbm4b:s1+s3], $0x80, s21, s3, $0xb8;
	[tilespmem:$0x19400] =	vst v63  }
0x68: {  	_ =	swait.ge @!p0 [sflag:s20], $0x6400  }
0x69: {  	[sflag:s20] =	ssyncset.done @!p0 $0x0  }
0x6a: {  	s3 =	simm.s32 @!p0 $0x80;
	[sflag:s20] =	ssyncadd.s32 @!p0 $0xFFFF9C00;
	s20 =	simm.s32 @!p0 $0x300  }
0x6b: {  	[tilespmem:s20], [sflag:$0xC] =	stream.strided.gather @!p0 [hbm4b:s10+s3], $0x100, s18, s3, $0x38;
	[tilespmem:$0x19400] =	vst v63  }
0x6c: {  	s0 =	simm.s32 $0xA;
	s3 =	simm.s32 @!p0 $0x13000  }
0x6d: {  	[hbm4b:s11+s21] =	stream.linear.scatter @!p0 [tilespmem:s3], [sflag:$0x8], $0x6400, $0x38;
	[tilespmem:$0x19400] =	vst v63  }
0x6e: {  	_ =	swait.ge [sflag:s0], $0x100  }
0x6f: {  	p1 =	seq.s32 s14, $0x0;
	[sflag:s0] =	ssyncset.done $0x0  }
0x70: {  	s13 =	smov.u32 s14;
	s3 =	simm.s32 @!p0 $0x6;
	[sflag:s0] =	ssyncadd.s32 $0xFFFFFF00  }
0x71: {  	p3 =	seq.s32 s12, $0x7C0;
	s6 =	sand.u32 @!p1 $0x40, s13;
	_ =	swait.ge @!p0 [sflag:s3], $0x6400  }
0x72: {  	s19 =	sand.u32 @!p1 $0x1FF00, s15;
	s6 =	sadd.s32 @!p1 s6, s5;
	[sflag:s3] =	ssyncset.done @!p0 $0x0  }
0x73: {  	s6 =	sadd.s32 @!p1 s19, s6;
	s21 =	simm.s32 $0x100;
	[sflag:s3] =	ssyncadd.s32 @!p0 $0xFFFF9C00  }
0x74: {  	[tilespmem:s29], [sflag:$0x2] =	stream.indirect.gather [hbm4b:s1+s24], $0x80, s21, s24, $0xb8;
	[tilespmem:$0x19400] =	vst v63  }
0x75: {  	s16 =	sshrl.u32 @!p1 s17, $0x3;
	s6 =	sadd.s32 @!p1 $0x30, s6;
	_ =	swait.ge [sflag:s26], $0x6400  }
0x76: {  	s19 =	sadd.s32 @!p1 s25, s16;
	s10 =	smov.u32 s6;
	s3 =	rddreg [dreg:$0x4]  }
0x77: {  	s18 =	sadd.s32 @!p3 $0x80, s22;
	s6 =	simm.s32 @!p3 $0x80;
	s12 =	sadd.s32 @!p3 s12, s3  }
0x78: {  	s18 =	sand.u32 @!p3 $0xFFFFF00, s18;
	s11 =	smov.u32 s19;
	s3 =	sxor.u32 @!p3 $0xFFFFFFFF, s12  }
0x79: {  	s19 =	sadd.s32 @!p3 $0xC0, s22;
	[sflag:s26] =	ssyncset.done $0x0;
	s21 =	sand.u32 @!p3 $0x40, s3  }
0x7a: {  	s0 =	simm.s32 @!p3 $0x0;
	[sflag:s26] =	ssyncadd.s32 $0xFFFF9C00;
	s21 =	sadd.s32 @!p3 s5, s21  }
0x7b: {  	s20 =	sadd.s32 @!p3 $0x50, s12;
	s3 =	simm.s32 @!p3 $0x400;
	s18 =	sadd.s32 @!p3 s18, s21  }
0x7c: {  	[tilespmem:s0], [sflag:$0x9] =	stream.strided.gather @!p3 [hbm4b:s18+s6], $0x100, s3, s6, $0x38;
	[tilespmem:$0x19400] =	vst v63  }
0x7d: {  	s12 =	sadd.s32 @!p3 $0x60, s12;
	s21 =	sadd.s32 @!p3 $0xA0, s22;
	s22 =	simm.s32 $0x400  }
0x7e: {  	[hbm4b:s9+s23] =	stream.linear.scatter [tilespmem:s22], [sflag:$0x5], $0x6400, $0x38;
	[tilespmem:$0x19400] =	vst v63  }
0x7f: {  	s12 =	sand.u32 @!p3 $0x60, s12;
	_ =	swait.ge [sflag:s28], $0x100  }
0x80: {  	s18 =	sand.u32 @!p3 $0xFFFFF00, s19;
	s19 =	sadd.s32 @!p3 s5, s12;
	[sflag:s28] =	ssyncset.done $0x0  }
0x81: {  	s12 =	smov.u32 s13;
	s13 =	simm.s32 @!p0 $0x7;
	[sflag:s28] =	ssyncadd.s32 $0xFFFFFF00  }
0x82: {  	_ =	swait.ge @!p0 [sflag:s13], $0x6400  }
0x83: {  	[sflag:s13] =	ssyncset.done @!p0 $0x0  }
0x84: {  	s0 =	sand.u32 @!p3 $0xFFFFF00, s21;
	s21 =	simm.s32 $0x200;
	[sflag:s13] =	ssyncadd.s32 @!p0 $0xFFFF9C00  }
0x85: {  	[tilespmem:s4], [sflag:$0x3] =	stream.indirect.gather [hbm4b:s1+s24], $0x80, s21, s24, $0xb8;
	[tilespmem:$0x19400] =	vst v63  }
0x86: {  	s20 =	sand.u32 @!p3 $0x50, s20;
	_ =	swait.ge [sflag:s30], $0x6400  }
0x87: {  	s20 =	sadd.s32 @!p3 s5, s20;
	[sflag:s30] =	ssyncset.done $0x0  }
0x88: {  	s0 =	sadd.s32 @!p3 s0, s20;
	s13 =	simm.s32 @!p3 $0x100;
	[sflag:s30] =	ssyncadd.s32 $0xFFFF9C00  }
0x89: {  	[tilespmem:s13], [sflag:$0xA] =	stream.strided.gather @!p3 [hbm4b:s0+s6], $0x100, s3, s6, $0x38;
	[tilespmem:$0x19400] =	vst v63  }
0x8a: {  	_ = 	snop  }
0x8b: {  	[hbm4b:s8+s23] =	stream.linear.scatter [tilespmem:s29], [sflag:$0x6], $0x6400, $0x38;
	[tilespmem:$0x19400] =	vst v63  }
0x8c: {  	_ =	swait.ge [sflag:s31], $0x100  }
0x8d: {  	[sflag:s31] =	ssyncset.done $0x0  }
0x8e: {  	s14 =	sadd.s32 $0x40, s14;
	s0 =	simm.s32 @!p0 $0x8;
	[sflag:s31] =	ssyncadd.s32 $0xFFFFFF00  }
0x8f: {  	p2 =	sne.s32 s14, $0x800;
	_ =	swait.ge @!p0 [sflag:s0], $0x6400  }
0x90: {  	s17 =	sadd.s32 $0x19000, s17;
	s16 =	smov.u32 s7;
	[sflag:s0] =	ssyncset.done @!p0 $0x0  }
0x91: {  	s20 =	simm.s32 $0x300;
	s21 =	simm.s32 $0x13000;
	[sflag:s0] =	ssyncadd.s32 @!p0 $0xFFFF9C00  }
0x92: {  	[tilespmem:s21], [sflag:$0x4] =	stream.indirect.gather [hbm4b:s1+s24], $0x80, s20, s24, $0xb8;
	[tilespmem:$0x19400] =	vst v63  }
.Ltmp0:
0x93: {  	s7 =	sadd.s32 $0x3200, s7;
	s22 =	smov.u32 s15;
	(pc) =	sbr.rel @p2 .LBB2_2-.Ltmp0, $4  }
0x94: {  	s9 =	sadd.s32 $0x3200, s9;
	s15 =	sadd.s32 $0x80, s15;
	_ =	swait.ge [sflag:s2], $0x6400  }
0x95: {  	s13 =	simm.s32 @!p3 $0x200;
	s8 =	sadd.s32 $0x3200, s8;
	[sflag:s2] =	ssyncset.done $0x0  }
0x96: {  	p0 =	por p1, p1;
	s0 =	sadd.s32 @!p3 s18, s19;
	[sflag:s2] =	ssyncadd.s32 $0xFFFF9C00  }
0x97: {  	[tilespmem:s13], [sflag:$0xB] =	stream.strided.gather @!p3 [hbm4b:s0+s6], $0x100, s3, s6, $0x38;
	[tilespmem:$0x19400] =	vst v63  }
0x98: {  	s0 =	simm.s32 @!p0 $0x9;
	s14 =	simm.s32 $0xCC00;
	s15 =	simm.s32 $0x0  }
0x99: {  	[hbm4b:s16+s15] =	stream.linear.scatter [tilespmem:s14], [sflag:$0x7], $0x6400, $0x38;
	[tilespmem:$0x19400] =	vst v63  }
0x9a: {  	_ =	swait.ge @!p0 [sflag:s0], $0x100  }
0x9b: {  	[sflag:s0] =	ssyncset.done @!p0 $0x0  }
0x9c: {  	[sflag:s0] =	ssyncadd.s32 @!p0 $0xFFFFFF00;
	s0 =	simm.s32 @!p0 $0x5  }
0x9d: {  	_ =	swait.ge @!p0 [sflag:s0], $0x6400  }
0x9e: {  	s3 =	simm.s32 @!p0 $0x400;
	s6 =	simm.s32 @!p0 $0x4;
	[sflag:s0] =	ssyncset.done @!p0 $0x0  }
0x9f: {  	s13 =	simm.s32 @!p0 $0x0;
	[sflag:s0] =	ssyncadd.s32 @!p0 $0xFFFF9C00;
	s0 =	simm.s32 @!p0 $0xC8  }
0xa0: {  	[tilespmem:s3], [sflag:$0x1] =	stream.indirect.gather @!p0 [hbm4b:s1+s0], $0x80, s13, s0, $0xb8;
	[tilespmem:$0x19400] =	vst v63  }
0xa1: {  	_ =	swait.ge @!p0 [sflag:s6], $0x6400  }
0xa2: {  	[sflag:s6] =	ssyncset.done @!p0 $0x0  }
0xa3: {  	s0 =	simm.s32 @!p0 $0x80;
	[sflag:s6] =	ssyncadd.s32 @!p0 $0xFFFF9C00;
	s6 =	simm.s32 @!p0 $0x300  }
0xa4: {  	[tilespmem:s6], [sflag:$0xC] =	stream.strided.gather @!p0 [hbm4b:s10+s0], $0x100, s3, s0, $0x38;
	[tilespmem:$0x19400] =	vst v63  }
0xa5: {  	s19 =	simm.s32 $0xA;
	s0 =	simm.s32 @!p0 $0x13000  }
0xa6: {  	[hbm4b:s11+s13] =	stream.linear.scatter @!p0 [tilespmem:s0], [sflag:$0x8], $0x6400, $0x38;
	[tilespmem:$0x19400] =	vst v63  }
0xa7: {  	_ =	swait.ge [sflag:s19], $0x100  }
0xa8: {  	[sflag:s19] =	ssyncset.done $0x0  }
0xa9: {  	s0 =	simm.s32 @!p0 $0x6;
	[sflag:s19] =	ssyncadd.s32 $0xFFFFFF00  }
0xaa: {  	_ =	swait.ge @!p0 [sflag:s0], $0x6400  }
0xab: {  	s20 =	simm.s32 $0x100;
	[sflag:s0] =	ssyncset.done @!p0 $0x0  }
0xac: {  	s21 =	simm.s32 $0x6800;
	s4 =	simm.s32 $0xC8;
	[sflag:s0] =	ssyncadd.s32 @!p0 $0xFFFF9C00  }
0xad: {  	[tilespmem:s21], [sflag:$0x2] =	stream.indirect.gather [hbm4b:s1+s4], $0x80, s20, s4, $0xb8;
	[tilespmem:$0x19400] =	vst v63  }
0xae: {  	_ =	swait.ge [sflag:s26], $0x6400  }
0xaf: {  	p1 =	seq.s32 s12, $0x7C0;
	s0 =	rddreg [dreg:$0x4]  }
0xb0: {  	s0 =	sadd.s32 @!p1 s12, s0  }
0xb1: {  	s3 =	sadd.s32 @!p1 $0x80, s22;
	s6 =	sxor.u32 @!p1 $0xFFFFFFFF, s0  }
0xb2: {  	s10 =	simm.s32 @!p1 $0x80;
	s3 =	sand.u32 @!p1 $0xFFFFF00, s3;
	s6 =	sand.u32 @!p1 $0x40, s6  }
0xb3: {  	s11 =	simm.s32 @!p1 $0x400;
	[sflag:s26] =	ssyncset.done $0x0;
	s6 =	sadd.s32 @!p1 s5, s6  }
0xb4: {  	[sflag:s26] =	ssyncadd.s32 $0xFFFF9C00;
	s3 =	sadd.s32 @!p1 s3, s6;
	s6 =	simm.s32 @!p1 $0x0  }
0xb5: {  	[tilespmem:s6], [sflag:$0x9] =	stream.strided.gather @!p1 [hbm4b:s3+s10], $0x100, s11, s10, $0x38;
	[tilespmem:$0x19400] =	vst v63  }
0xb6: {  	s6 =	simm.s32 $0x400  }
0xb7: {  	[hbm4b:s9+s15] =	stream.linear.scatter [tilespmem:s6], [sflag:$0x5], $0x6400, $0x38;
	[tilespmem:$0x19400] =	vst v63  }
0xb8: {  	_ =	swait.ge [sflag:s28], $0x100  }
0xb9: {  	[sflag:s28] =	ssyncset.done $0x0  }
0xba: {  	s3 =	simm.s32 @!p0 $0x7;
	[sflag:s28] =	ssyncadd.s32 $0xFFFFFF00  }
0xbb: {  	_ =	swait.ge @!p0 [sflag:s3], $0x6400  }
0xbc: {  	[sflag:s3] =	ssyncset.done @!p0 $0x0  }
0xbd: {  	s6 =	sadd.s32 @!p1 $0x50, s0;
	s9 =	simm.s32 $0x200;
	[sflag:s3] =	ssyncadd.s32 @!p0 $0xFFFF9C00  }
0xbe: {  	[tilespmem:s14], [sflag:$0x3] =	stream.indirect.gather [hbm4b:s1+s4], $0x80, s9, s4, $0xb8;
	[tilespmem:$0x19400] =	vst v63  }
0xbf: {  	s3 =	sand.u32 @!p1 $0x50, s6;
	s6 =	sadd.s32 @!p1 $0xA0, s22;
	_ =	swait.ge [sflag:s30], $0x6400  }
0xc0: {  	s3 =	sadd.s32 @!p1 s5, s3;
	s6 =	sand.u32 @!p1 $0xFFFFF00, s6;
	[sflag:s30] =	ssyncset.done $0x0  }
0xc1: {  	s3 =	sadd.s32 @!p1 s6, s3;
	s6 =	simm.s32 @!p1 $0x100;
	[sflag:s30] =	ssyncadd.s32 $0xFFFF9C00  }
0xc2: {  	[tilespmem:s6], [sflag:$0xA] =	stream.strided.gather @!p1 [hbm4b:s3+s10], $0x100, s11, s10, $0x38;
	[tilespmem:$0x19400] =	vst v63  }
0xc3: {  	_ = 	snop  }
0xc4: {  	[hbm4b:s8+s15] =	stream.linear.scatter [tilespmem:s21], [sflag:$0x6], $0x6400, $0x38;
	[tilespmem:$0x19400] =	vst v63  }
0xc5: {  	_ =	swait.ge [sflag:s31], $0x100  }
0xc6: {  	[sflag:s31] =	ssyncset.done $0x0  }
0xc7: {  	s3 =	simm.s32 @!p0 $0x8;
	[sflag:s31] =	ssyncadd.s32 $0xFFFFFF00  }
0xc8: {  	_ =	swait.ge @!p0 [sflag:s3], $0x6400  }
0xc9: {  	s13 =	simm.s32 $0x13000;
	[sflag:s3] =	ssyncset.done @!p0 $0x0  }
0xca: {  	s12 =	simm.s32 $0x300;
	s0 =	sadd.s32 @!p1 $0x60, s0;
	[sflag:s3] =	ssyncadd.s32 @!p0 $0xFFFF9C00  }
0xcb: {  	[tilespmem:s13], [sflag:$0x4] =	stream.indirect.gather [hbm4b:s1+s4], $0x80, s12, s4, $0xb8;
	[tilespmem:$0x19400] =	vst v63  }
0xcc: {  	s0 =	sand.u32 @!p1 $0x60, s0;
	s3 =	sadd.s32 @!p1 $0xC0, s22;
	_ =	swait.ge [sflag:s2], $0x6400  }
0xcd: {  	s0 =	sadd.s32 @!p1 s5, s0;
	s3 =	sand.u32 @!p1 $0xFFFFF00, s3;
	[sflag:s2] =	ssyncset.done $0x0  }
0xce: {  	s0 =	sadd.s32 @!p1 s3, s0;
	s3 =	simm.s32 @!p1 $0x200;
	[sflag:s2] =	ssyncadd.s32 $0xFFFF9C00  }
0xcf: {  	[tilespmem:s3], [sflag:$0xB] =	stream.strided.gather @!p1 [hbm4b:s0+s10], $0x100, s11, s10, $0x38;
	[tilespmem:$0x19400] =	vst v63  }
0xd0: {  	_ = 	snop  }
0xd1: {  	[hbm4b:s7+s15] =	stream.linear.scatter [tilespmem:s14], [sflag:$0x7], $0x6400, $0x38;
	[tilespmem:$0x19400] =	vst v63  }
0xd2: {  	s14 =	simm.s32 $0x4  }
0xd3: {  	_ =	swait.ge [sflag:s14], $0x6400  }
0xd4: {  	[sflag:s14] =	ssyncset.done $0x0  }
0xd5: {  	s17 =	simm.s32 $0x5;
	s16 =	rddreg [dreg:$0x9];
	[sflag:s14] =	ssyncadd.s32 $0xFFFF9C00  }
0xd6: {  	[hbm4b:s16+s15] =	stream.linear.scatter [tilespmem:s13], [sflag:$0x8], $0x6400, $0x38;
	[tilespmem:$0x19400] =	vst v63  }
0xd7: {  	_ =	swait.ge [sflag:s17], $0x6400  }
0xd8: {  	[sflag:s17] =	ssyncset.done $0x0  }
0xd9: {  	s18 =	simm.s32 $0x6;
	[sflag:s17] =	ssyncadd.s32 $0xFFFF9C00  }
0xda: {  	_ =	swait.ge [sflag:s18], $0x6400  }
0xdb: {  	[sflag:s18] =	ssyncset.done $0x0  }
0xdc: {  	s19 =	simm.s32 $0x7;
	[sflag:s18] =	ssyncadd.s32 $0xFFFF9C00  }
0xdd: {  	_ =	swait.ge [sflag:s19], $0x6400  }
0xde: {  	[sflag:s19] =	ssyncset.done $0x0  }
0xdf: {  	s20 =	simm.s32 $0x8;
	[sflag:s19] =	ssyncadd.s32 $0xFFFF9C00  }
0xe0: {  	_ =	swait.ge [sflag:s20], $0x6400  }
0xe1: {  	s21 =	rddreg [dreg:$0x10]  }
0xe2: {  	s22 =	rddreg [dreg:$0xa];
	s6 =	sadd.s32 $0x1, s21  }
0xe3: {  	p0 =	sne.s32 s6, s22  }
.Ltmp1:
0xe4: {  	_ = 	snop;
	(pc) =	sbr.rel @p0 .LBB2_1-.Ltmp1, $3  }
0xe5: {  	_ =	sdelay $0x1  }
0xe6: {  	[sflag:s20] =	ssyncset.done $0x0  }
0xe7: {  	s4 =	simm.s32 $0xCC00;
	[sflag:s20] =	ssyncadd.s32 $0xFFFF9C00  }
0xe8: {  	_ =	sfence.sel $0x180000  }
0xe9: {  	[bflag:$0x0] =	sbarrier.arrive $0xFFFF  }
0xea: {  	_ =	strace $0x90000047  }
0xeb: {  	s0 =	stileid.u32;
	[bflag:$0x2] =	sbarrier.arrive $0xFFFF  }
0xec: {  	p0 =	sne.s32 s0, $0x0;
	s0 =	rddreg [dreg:$0x3]  }
0xed: {  	s0 =	sadd.s32 @!p0 $0x100000, s0  }
0xee: {  	[sflag:s0] =	ssyncadd.tile.s32 @!p0 $0x1;
	_ =	shalt  }
.Lfunc_end2:
_tile_overlayer_lowered:
.L_overlay_start_2:
0xef: {  	(tag) =	ssettag $0x2  }
0xf0: {  	s0 =	rddreg [dreg:$0x0];
	s2 =	stileid.u32  }
0xf1: {  	s1 =	rddreg [dreg:$0x1];
	p0 =	sne.s32 s2, $0x0  }
0xf2: {  	s3 =	rddreg [dreg:$0x2];
	[bflag:$0x3] =	sbarrier.arrive $0xFFFF;
	s2 =	simm.s32 @!p0 $0x1C0D  }
0xf3: {  	[timem:s3], [sflag:s2] =	dma.local @!p0 [hbm:s0], s1  }
0xf4: {  	s0 =	simm.s32 @!p0 $0xD  }
0xf5: {  	_ =	swait.ge @!p0 [sflag:s0], s1  }
0xf6: {  	s1 =	ssub.s32 @!p0 $0x0, s1;
	[sflag:s0] =	ssyncset.done @!p0 $0x0  }
0xf7: {  	[sflag:s0] =	ssyncadd.s32 @!p0 s1  }
0xf8: {  	[bflag:$0x3] =	sbarrier.arrive $0xFFFF  }
0xf9: {  	_ =	shalt  }

</sc_bundles>
